<compile_context>
chip_gen: v7x
topology: tpu7x:2x2x1
jax: 0.10.2.dev20260603
libtpu: 0.0.44.dev20260713+nightly
codegen_flags: <defaults>
</compile_context>

<pallas_src>
import functools

import jax
import jax.numpy as jnp
from jax import lax
from jax.experimental import pallas as pl
from jax.experimental.pallas import tpu as pltpu
from jax.experimental.pallas import tpu_sc as plsc

VOCAB = 100000
EMB = 128
HID = 256
BATCH = 1024
SEQ = 50

N_TOK = BATCH * SEQ
NW = 32
T_A = 10
T_B = SEQ - T_A


@functools.cache
def _make_sc_gather(t_len, n_chunk):
    chunk = BATCH * t_len // (NW * n_chunk)
    mesh = plsc.VectorSubcoreMesh(core_axis_name="c", subcore_axis_name="s")

    @functools.partial(
        pl.kernel,
        out_type=jax.ShapeDtypeStruct((BATCH * t_len, EMB), jnp.float32),
        mesh=mesh,
        scratch_types=[
            pltpu.VMEM((chunk,), jnp.int32),
            pltpu.VMEM((chunk,), jnp.int32),
            pltpu.VMEM((chunk, EMB), jnp.float32),
            pltpu.VMEM((chunk, EMB), jnp.float32),
            pltpu.SemaphoreType.DMA,
            pltpu.SemaphoreType.DMA,
            pltpu.SemaphoreType.DMA,
            pltpu.SemaphoreType.DMA,
        ],
    )
    def gather_kernel(table_hbm, idx_hbm, out_hbm,
                      i0, i1, r0, r1, gs0, gs1, ss0, ss1):
        wid = lax.axis_index("s") * 2 + lax.axis_index("c")
        base = wid * (n_chunk * chunk)
        idx_bufs = (i0, i1)
        row_bufs = (r0, r1)
        g_sems = (gs0, gs1)
        s_sems = (ss0, ss1)

        gathers = [None, None]
        scatters = [None, None]
        for j in range(n_chunk):
            p = j % 2
            pltpu.sync_copy(idx_hbm.at[wid * n_chunk + j], idx_bufs[p])
            if scatters[p] is not None:
                scatters[p].wait()
                scatters[p] = None
            gathers[p] = pltpu.async_copy(
                table_hbm.at[idx_bufs[p]], row_bufs[p], g_sems[p])
            q = (j + 1) % 2
            if gathers[q] is not None:
                gathers[q].wait()
                scatters[q] = pltpu.async_copy(
                    row_bufs[q],
                    out_hbm.at[pl.ds(base + (j - 1) * chunk, chunk)],
                    s_sems[q])
        last = (n_chunk - 1) % 2
        gathers[last].wait()
        pltpu.async_copy(
            row_bufs[last],
            out_hbm.at[pl.ds(base + (n_chunk - 1) * chunk, chunk)],
            s_sems[last]).wait()
        other = n_chunk % 2
        if scatters[other] is not None:
            scatters[other].wait()

    return gather_kernel


K0 = EMB + HID
K1 = 2 * HID
NB = 4
BB = BATCH // NB


def _make_scan_half(first, last, t_len, interpret=False):
    def body(emb_ref, w0_ref, b0_ref, w1_ref, b1_ref, *rest):
        if first:
            (hout_ref, cout_ref, xh_ref, c0_ref, c1_ref) = rest
        else:
            (hin_ref, cin_ref, hout_ref, cout_ref,
             xh_ref, c0_ref, c1_ref) = rest
        t = pl.program_id(0)
        bf = jnp.bfloat16

        @pl.when(t == 0)
        def _init():
            if first:
                xh_ref[:, EMB:] = jnp.zeros((BATCH, 2 * HID), bf)
                c0_ref[...] = jnp.zeros_like(c0_ref)
                c1_ref[...] = jnp.zeros_like(c1_ref)
            else:
                xh_ref[:, EMB:K0] = hin_ref[0]
                xh_ref[:, K0:] = hin_ref[1]
                c0_ref[...] = cin_ref[0]
                c1_ref[...] = cin_ref[1]

        def cell(xh, c, w, b):
            gates = jnp.dot(xh, w, preferred_element_type=jnp.float32)
            i = 0.5 * jnp.tanh(gates[:, 0 * HID:1 * HID] + b[0 * HID:1 * HID]) + 0.5
            f = 0.5 * jnp.tanh(gates[:, 1 * HID:2 * HID] + b[1 * HID:2 * HID]) + 0.5
            g = jnp.tanh(gates[:, 2 * HID:3 * HID] + b[2 * HID:3 * HID])
            o = 0.5 * jnp.tanh(gates[:, 3 * HID:4 * HID] + b[3 * HID:4 * HID]) + 0.5
            c_new = f * c + i * g
            h_new = o * jnp.tanh(c_new)
            return h_new, c_new

        for n in range(NB):
            sl = pl.ds(n * BB, BB)
            xh_ref[sl, :EMB] = emb_ref[0, sl].astype(bf)
        w0 = w0_ref[...]
        w1 = w1_ref[...]
        b0 = b0_ref[0]
        b1 = b1_ref[0]

        h0s, c0s, h1s, c1s = [], [], [], []
        for n in range(NB):
            sl = pl.ds(n * BB, BB)
            h0, c0 = cell(xh_ref[sl, :K0], c0_ref[sl], w0, b0)
            xh_ref[sl, EMB:K0] = h0.astype(bf)
            c0_ref[sl] = c0
            h0s.append(h0)
            c0s.append(c0)
        for n in range(NB):
            sl = pl.ds(n * BB, BB)
            h1, c1 = cell(xh_ref[sl, EMB:], c1_ref[sl], w1, b1)
            xh_ref[sl, K0:] = h1.astype(bf)
            c1_ref[sl] = c1
            h1s.append(h1)
            c1s.append(c1)

        @pl.when(t == t_len - 1)
        def _emit():
            for n in range(NB):
                sl = pl.ds(n * BB, BB)
                if last:
                    hout_ref[0, sl] = h0s[n]
                    hout_ref[1, sl] = h1s[n]
                else:
                    hout_ref[0, sl] = h0s[n].astype(bf)
                    hout_ref[1, sl] = h1s[n].astype(bf)
                cout_ref[0, sl] = c0s[n]
                cout_ref[1, sl] = c1s[n]

    full = lambda shape: pl.BlockSpec(shape, lambda t: (0,) * len(shape))
    in_specs = [
        pl.BlockSpec((1, BATCH, EMB), lambda t: (t, 0, 0)),
        full((K0, 4 * HID)),
        full((1, 4 * HID)),
        full((K1, 4 * HID)),
        full((1, 4 * HID)),
    ]
    if not first:
        in_specs += [full((2, BATCH, HID)), full((2, BATCH, HID))]
    h_dtype = jnp.float32 if last else jnp.bfloat16
    return pl.pallas_call(
        body,
        grid=(t_len,),
        in_specs=in_specs,
        out_specs=[full((2, BATCH, HID)), full((2, BATCH, HID))],
        out_shape=[
            jax.ShapeDtypeStruct((2, BATCH, HID), h_dtype),
            jax.ShapeDtypeStruct((2, BATCH, HID), jnp.float32),
        ],
        scratch_shapes=[
            pltpu.VMEM((BATCH, EMB + 2 * HID), jnp.bfloat16),
            pltpu.VMEM((BATCH, HID), jnp.float32),
            pltpu.VMEM((BATCH, HID), jnp.float32),
        ],
        interpret=interpret,
    )


def _lstm_scan(emb_tm_a, emb_tm_b, w0, b0, w1, b1, interpret=False):
    hc, cc = _make_scan_half(True, False, T_A, interpret)(
        emb_tm_a, w0, b0, w1, b1)
    return _make_scan_half(False, True, T_B, interpret)(
        emb_tm_b, w0, b0, w1, b1, hc, cc)


def _pack_w(w_ih, w_hh, b_ih, b_hh):
    scale = jnp.concatenate([
        jnp.full((1, HID), 0.5), jnp.full((1, HID), 0.5),
        jnp.ones((1, HID)), jnp.full((1, HID), 0.5)], axis=1)
    w = jnp.concatenate([w_ih.T, w_hh.T], axis=0) * scale
    b = (b_ih + b_hh).reshape(1, -1) * scale
    return w.astype(jnp.bfloat16), b


@jax.jit
def kernel(table, W_ih_0, W_hh_0, b_ih_0, b_hh_0,
           W_ih_1, W_hh_1, b_ih_1, b_hh_1, x):
    idx = x.astype(jnp.int32).T.reshape(-1)
    n_a = BATCH * T_A
    idx_a = idx[:n_a].reshape(NW * 2, -1)
    idx_b = idx[n_a:].reshape(NW * 4, -1)
    emb_a = _make_sc_gather(T_A, 2)(table, idx_a).reshape(T_A, BATCH, EMB)
    emb_b = _make_sc_gather(T_B, 4)(table, idx_b).reshape(T_B, BATCH, EMB)

    w0, b0 = _pack_w(W_ih_0, W_hh_0, b_ih_0, b_hh_0)
    w1, b1 = _pack_w(W_ih_1, W_hh_1, b_ih_1, b_hh_1)
    hidden, cell = _lstm_scan(emb_a, emb_b, w0, b0, w1, b1)
    return (hidden, cell)

# --- scband reference (transcript-rebuilt; emitter-appended) ---
"""Pipeline reference for scband-encoder-40037685134114 (READ-ONLY COPY).

The authoritative reference and input builder live on the scoring server;
editing this copy changes nothing except your own understanding.
"""

import jax, jax.numpy as jnp
import numpy as np
from jax import lax

VOCAB = 100000
EMB = 128
HID = 256
LAYERS = 2
BATCH = 1024
SEQ = 50


def _lstm_layer(x_seq, W_ih, W_hh, b_ih, b_hh):
    # x_seq: [B, T, D_in]; weights follow torch layout: W_ih [4H, D_in], W_hh [4H, H]
    B = x_seq.shape[0]
    H = W_hh.shape[1]
    h0 = jnp.zeros((B, H), dtype=x_seq.dtype)
    c0 = jnp.zeros((B, H), dtype=x_seq.dtype)

    def step(carry, xt):
        h, c = carry
        gates = xt @ W_ih.T + h @ W_hh.T + b_ih + b_hh
        i, f, g, o = jnp.split(gates, 4, axis=-1)
        i = jax.nn.sigmoid(i)
        f = jax.nn.sigmoid(f)
        g = jnp.tanh(g)
        o = jax.nn.sigmoid(o)
        c_new = f * c + i * g
        h_new = o * jnp.tanh(c_new)
        return (h_new, c_new), h_new

    (h_T, c_T), ys = lax.scan(step, (h0, c0), jnp.transpose(x_seq, (1, 0, 2)))
    outputs = jnp.transpose(ys, (1, 0, 2))
    return outputs, h_T, c_T


def setup_inputs(seed: int = 0) -> dict:
    key = jax.random.key(seed)
    ks = jax.random.split(key, 10)
    x = jax.random.randint(ks[0], (BATCH, SEQ), 0, VOCAB, dtype=jnp.int64 if jax.config.jax_enable_x64 else jnp.int32)
    scale = 1.0 / np.sqrt(HID)
    table = jax.random.normal(ks[1], (VOCAB, EMB), dtype=jnp.float32)
    W_ih_0 = jax.random.uniform(ks[2], (4 * HID, EMB), minval=-scale, maxval=scale, dtype=jnp.float32)
    W_hh_0 = jax.random.uniform(ks[3], (4 * HID, HID), minval=-scale, maxval=scale, dtype=jnp.float32)
    b_ih_0 = jax.random.uniform(ks[4], (4 * HID,), minval=-scale, maxval=scale, dtype=jnp.float32)
    b_hh_0 = jax.random.uniform(ks[5], (4 * HID,), minval=-scale, maxval=scale, dtype=jnp.float32)
    W_ih_1 = jax.random.uniform(ks[6], (4 * HID, HID), minval=-scale, maxval=scale, dtype=jnp.float32)
    W_hh_1 = jax.random.uniform(ks[7], (4 * HID, HID), minval=-scale, maxval=scale, dtype=jnp.float32)
    b_ih_1 = jax.random.uniform(ks[8], (4 * HID,), minval=-scale, maxval=scale, dtype=jnp.float32)
    b_hh_1 = jax.random.uniform(ks[9], (4 * HID,), minval=-scale, maxval=scale, dtype=jnp.float32)
    return {
        "table": table,
        "W_ih_0": W_ih_0, "W_hh_0": W_hh_0, "b_ih_0": b_ih_0, "b_hh_0": b_hh_0,
        "W_ih_1": W_ih_1, "W_hh_1": W_hh_1, "b_ih_1": b_ih_1, "b_hh_1": b_hh_1,
        "x": x,
    }


def reference(table, W_ih_0, W_hh_0, b_ih_0, b_hh_0, W_ih_1, W_hh_1, b_ih_1, b_hh_1, x):
    # Embedding lookup (dropout is identity in eval mode)
    embedded = jnp.take(table, x, axis=0)  # [B, T, EMB]
    out0, h0, c0 = _lstm_layer(embedded, W_ih_0, W_hh_0, b_ih_0, b_hh_0)
    # torch nn.LSTM applies inter-layer dropout in train mode only; eval -> identity
    out1, h1, c1 = _lstm_layer(out0, W_ih_1, W_hh_1, b_ih_1, b_hh_1)
    hidden = jnp.stack([h0, h1], axis=0)  # [num_layers, B, H]
    cell = jnp.stack([c0, c1], axis=0)
    return (hidden, cell)

if __name__ == "__main__":
    import jax
    _d = setup_inputs()
    print(jax.jit(kernel)(*tuple(_d.values())))

</pallas_src>

<mosaic_0001>
#map = affine_map<(d0, d1) -> (0, 0)>
module attributes {stable_mosaic.version = 14 : i64} {
  func.func @gather_kernel(%arg0: i32, %arg1: i32, %arg2: memref<100000x128xf32, #tpu.memory_space<hbm>>, %arg3: memref<128x320xi32, #tpu.memory_space<hbm>>, %arg4: memref<40960x128xf32, #tpu.memory_space<hbm>>, %arg5: memref<320xi32, #tpu.memory_space<vmem>>, %arg6: memref<320xi32, #tpu.memory_space<vmem>>, %arg7: memref<320x128xf32, #tpu.memory_space<vmem>>, %arg8: memref<320x128xf32, #tpu.memory_space<vmem>>, %arg9: memref<!tpu.dma_semaphore, #tpu.memory_space<semaphore_mem>>, %arg10: memref<!tpu.dma_semaphore, #tpu.memory_space<semaphore_mem>>, %arg11: memref<!tpu.dma_semaphore, #tpu.memory_space<semaphore_mem>>, %arg12: memref<!tpu.dma_semaphore, #tpu.memory_space<semaphore_mem>>) attributes {dimension_semantics = [#tpu.dimension_semantics<core_parallel>, #tpu.dimension_semantics<subcore_parallel>], iteration_bounds = array<i64: 2, 16>, scalar_prefetch = 0 : i64, scratch_operands = 8 : i64, tpu.core_type = #tpu.core_type<sc_vector_subcore>, window_params = [{transform_indices = #map}, {transform_indices = #map}, {transform_indices = #map}]} {
    %mul3A = arith.constant 2 : i32
    %mul3A_0 = arith.muli %arg1, %mul3A : i32
    %add3A = arith.addi %mul3A_0, %arg0 : i32
    %mul3A_1 = arith.constant 1280 : i32
    %mul3A_2 = arith.muli %add3A, %mul3A_1 : i32
    %mul3A_3 = arith.constant 4 : i32
    %mul3A_4 = arith.muli %add3A, %mul3A_3 : i32
    %add3A_5 = arith.constant 0 : i32
    %add3A_6 = arith.addi %mul3A_4, %add3A_5 : i32
    "tpu.region"() ({
      %run_scoped3A = tpu.sem_alloc : memref<!tpu.dma_semaphore, #tpu.memory_space<semaphore_mem>>
      %dma_start3A_81 = arith.constant 0 : i32
      %dma_start3A_82 = tpu.memref_slice %arg3[%add3A_6, %dma_start3A_81] : memref<128x320xi32, #tpu.memory_space<hbm>> -> memref<1x320xi32, #tpu.memory_space<hbm>>
      %dma_start3A_83 = tpu.memref_squeeze %dma_start3A_82 : memref<1x320xi32, #tpu.memory_space<hbm>> -> memref<320xi32, #tpu.memory_space<hbm>>
      %dma_start3A_84 = arith.constant 0 : i32
      %dma_start3A_85 = tpu.memref_slice %arg3[%add3A_6, %dma_start3A_84] : memref<128x320xi32, #tpu.memory_space<hbm>> -> memref<1x320xi32, #tpu.memory_space<hbm>>
      %dma_start3A_86 = tpu.memref_squeeze %dma_start3A_85 : memref<1x320xi32, #tpu.memory_space<hbm>> -> memref<320xi32, #tpu.memory_space<hbm>>
      tpu.enqueue_dma source(%dma_start3A_86 : memref<320xi32, #tpu.memory_space<hbm>>) target(%arg5 : memref<320xi32, #tpu.memory_space<vmem>>) target_semaphore(%run_scoped3A : memref<!tpu.dma_semaphore, #tpu.memory_space<semaphore_mem>>)
      %dma_wait3A_87 = arith.constant 0 : i32
      %dma_wait3A_88 = tpu.memref_slice %arg3[%add3A_6, %dma_wait3A_87] : memref<128x320xi32, #tpu.memory_space<hbm>> -> memref<1x320xi32, #tpu.memory_space<hbm>>
      %dma_wait3A_89 = tpu.memref_squeeze %dma_wait3A_88 : memref<1x320xi32, #tpu.memory_space<hbm>> -> memref<320xi32, #tpu.memory_space<hbm>>
      %dma_wait3A_90 = arith.constant 0 : i32
      %dma_wait3A_91 = tpu.memref_slice %arg3[%add3A_6, %dma_wait3A_90] : memref<128x320xi32, #tpu.memory_space<hbm>> -> memref<1x320xi32, #tpu.memory_space<hbm>>
      %dma_wait3A_92 = tpu.memref_squeeze %dma_wait3A_91 : memref<1x320xi32, #tpu.memory_space<hbm>> -> memref<320xi32, #tpu.memory_space<hbm>>
      tpu.wait_dma2 semaphore(%run_scoped3A : memref<!tpu.dma_semaphore, #tpu.memory_space<semaphore_mem>>) src(%dma_wait3A_92 : memref<320xi32, #tpu.memory_space<hbm>>) dst(%arg5 : memref<320xi32, #tpu.memory_space<vmem>>)
      tpu.yield
    }) : () -> ()
    %dma_start3A = arith.constant 0 : i32
    %dma_start3A_7 = arith.constant 0 : i32
    %dma_start3A_8 = tpu.memref_slice %arg2[%dma_start3A, %dma_start3A_7] : memref<100000x128xf32, #tpu.memory_space<hbm>> -> memref<100000x128xf32, #tpu.memory_space<hbm>>
    tpu.enqueue_indirect_dma source(%dma_start3A_8 : memref<100000x128xf32, #tpu.memory_space<hbm>>) target(%arg7 : memref<320x128xf32, #tpu.memory_space<vmem>>) offsets(%arg5 : memref<320xi32, #tpu.memory_space<vmem>>) semaphore(%arg9 : memref<!tpu.dma_semaphore, #tpu.memory_space<semaphore_mem>>)
    %mul3A_9 = arith.constant 4 : i32
    %mul3A_10 = arith.muli %add3A, %mul3A_9 : i32
    %add3A_11 = arith.constant 1 : i32
    %add3A_12 = arith.addi %mul3A_10, %add3A_11 : i32
    "tpu.region"() ({
      %run_scoped3A = tpu.sem_alloc : memref<!tpu.dma_semaphore, #tpu.memory_space<semaphore_mem>>
      %dma_start3A_81 = arith.constant 0 : i32
      %dma_start3A_82 = tpu.memref_slice %arg3[%add3A_12, %dma_start3A_81] : memref<128x320xi32, #tpu.memory_space<hbm>> -> memref<1x320xi32, #tpu.memory_space<hbm>>
      %dma_start3A_83 = tpu.memref_squeeze %dma_start3A_82 : memref<1x320xi32, #tpu.memory_space<hbm>> -> memref<320xi32, #tpu.memory_space<hbm>>
      %dma_start3A_84 = arith.constant 0 : i32
      %dma_start3A_85 = tpu.memref_slice %arg3[%add3A_12, %dma_start3A_84] : memref<128x320xi32, #tpu.memory_space<hbm>> -> memref<1x320xi32, #tpu.memory_space<hbm>>
      %dma_start3A_86 = tpu.memref_squeeze %dma_start3A_85 : memref<1x320xi32, #tpu.memory_space<hbm>> -> memref<320xi32, #tpu.memory_space<hbm>>
      tpu.enqueue_dma source(%dma_start3A_86 : memref<320xi32, #tpu.memory_space<hbm>>) target(%arg6 : memref<320xi32, #tpu.memory_space<vmem>>) target_semaphore(%run_scoped3A : memref<!tpu.dma_semaphore, #tpu.memory_space<semaphore_mem>>)
      %dma_wait3A_87 = arith.constant 0 : i32
      %dma_wait3A_88 = tpu.memref_slice %arg3[%add3A_12, %dma_wait3A_87] : memref<128x320xi32, #tpu.memory_space<hbm>> -> memref<1x320xi32, #tpu.memory_space<hbm>>
      %dma_wait3A_89 = tpu.memref_squeeze %dma_wait3A_88 : memref<1x320xi32, #tpu.memory_space<hbm>> -> memref<320xi32, #tpu.memory_space<hbm>>
      %dma_wait3A_90 = arith.constant 0 : i32
      %dma_wait3A_91 = tpu.memref_slice %arg3[%add3A_12, %dma_wait3A_90] : memref<128x320xi32, #tpu.memory_space<hbm>> -> memref<1x320xi32, #tpu.memory_space<hbm>>
      %dma_wait3A_92 = tpu.memref_squeeze %dma_wait3A_91 : memref<1x320xi32, #tpu.memory_space<hbm>> -> memref<320xi32, #tpu.memory_space<hbm>>
      tpu.wait_dma2 semaphore(%run_scoped3A : memref<!tpu.dma_semaphore, #tpu.memory_space<semaphore_mem>>) src(%dma_wait3A_92 : memref<320xi32, #tpu.memory_space<hbm>>) dst(%arg6 : memref<320xi32, #tpu.memory_space<vmem>>)
      tpu.yield
    }) : () -> ()
    %dma_start3A_13 = arith.constant 0 : i32
    %dma_start3A_14 = arith.constant 0 : i32
    %dma_start3A_15 = tpu.memref_slice %arg2[%dma_start3A_13, %dma_start3A_14] : memref<100000x128xf32, #tpu.memory_space<hbm>> -> memref<100000x128xf32, #tpu.memory_space<hbm>>
    tpu.enqueue_indirect_dma source(%dma_start3A_15 : memref<100000x128xf32, #tpu.memory_space<hbm>>) target(%arg8 : memref<320x128xf32, #tpu.memory_space<vmem>>) offsets(%arg6 : memref<320xi32, #tpu.memory_space<vmem>>) semaphore(%arg10 : memref<!tpu.dma_semaphore, #tpu.memory_space<semaphore_mem>>)
    %dma_wait3A = arith.constant 0 : i32
    %dma_wait3A_16 = arith.constant 0 : i32
    %dma_wait3A_17 = tpu.memref_slice %arg2[%dma_wait3A, %dma_wait3A_16] : memref<100000x128xf32, #tpu.memory_space<hbm>> -> memref<100000x128xf32, #tpu.memory_space<hbm>>
    tpu.wait_indirect_dma semaphore(%arg9 : memref<!tpu.dma_semaphore, #tpu.memory_space<semaphore_mem>>) src(%dma_wait3A_17 : memref<100000x128xf32, #tpu.memory_space<hbm>>) dst(%arg7 : memref<320x128xf32, #tpu.memory_space<vmem>>)
    %add3A_18 = arith.constant 0 : i32
    %add3A_19 = arith.addi %mul3A_2, %add3A_18 : i32
    %dma_start3A_20 = arith.constant 0 : i32
    %dma_start3A_21 = tpu.memref_slice %arg4[%add3A_19, %dma_start3A_20] : memref<40960x128xf32, #tpu.memory_space<hbm>> -> memref<320x128xf32, #tpu.memory_space<hbm>>
    %dma_start3A_22 = arith.constant 0 : i32
    %dma_start3A_23 = tpu.memref_slice %arg4[%add3A_19, %dma_start3A_22] : memref<40960x128xf32, #tpu.memory_space<hbm>> -> memref<320x128xf32, #tpu.memory_space<hbm>>
    tpu.enqueue_dma source(%arg7 : memref<320x128xf32, #tpu.memory_space<vmem>>) target(%dma_start3A_23 : memref<320x128xf32, #tpu.memory_space<hbm>>) target_semaphore(%arg11 : memref<!tpu.dma_semaphore, #tpu.memory_space<semaphore_mem>>)
    %mul3A_24 = arith.constant 4 : i32
    %mul3A_25 = arith.muli %add3A, %mul3A_24 : i32
    %add3A_26 = arith.constant 2 : i32
    %add3A_27 = arith.addi %mul3A_25, %add3A_26 : i32
    "tpu.region"() ({
      %run_scoped3A = tpu.sem_alloc : memref<!tpu.dma_semaphore, #tpu.memory_space<semaphore_mem>>
      %dma_start3A_81 = arith.constant 0 : i32
      %dma_start3A_82 = tpu.memref_slice %arg3[%add3A_27, %dma_start3A_81] : memref<128x320xi32, #tpu.memory_space<hbm>> -> memref<1x320xi32, #tpu.memory_space<hbm>>
      %dma_start3A_83 = tpu.memref_squeeze %dma_start3A_82 : memref<1x320xi32, #tpu.memory_space<hbm>> -> memref<320xi32, #tpu.memory_space<hbm>>
      %dma_start3A_84 = arith.constant 0 : i32
      %dma_start3A_85 = tpu.memref_slice %arg3[%add3A_27, %dma_start3A_84] : memref<128x320xi32, #tpu.memory_space<hbm>> -> memref<1x320xi32, #tpu.memory_space<hbm>>
      %dma_start3A_86 = tpu.memref_squeeze %dma_start3A_85 : memref<1x320xi32, #tpu.memory_space<hbm>> -> memref<320xi32, #tpu.memory_space<hbm>>
      tpu.enqueue_dma source(%dma_start3A_86 : memref<320xi32, #tpu.memory_space<hbm>>) target(%arg5 : memref<320xi32, #tpu.memory_space<vmem>>) target_semaphore(%run_scoped3A : memref<!tpu.dma_semaphore, #tpu.memory_space<semaphore_mem>>)
      %dma_wait3A_87 = arith.constant 0 : i32
      %dma_wait3A_88 = tpu.memref_slice %arg3[%add3A_27, %dma_wait3A_87] : memref<128x320xi32, #tpu.memory_space<hbm>> -> memref<1x320xi32, #tpu.memory_space<hbm>>
      %dma_wait3A_89 = tpu.memref_squeeze %dma_wait3A_88 : memref<1x320xi32, #tpu.memory_space<hbm>> -> memref<320xi32, #tpu.memory_space<hbm>>
      %dma_wait3A_90 = arith.constant 0 : i32
      %dma_wait3A_91 = tpu.memref_slice %arg3[%add3A_27, %dma_wait3A_90] : memref<128x320xi32, #tpu.memory_space<hbm>> -> memref<1x320xi32, #tpu.memory_space<hbm>>
      %dma_wait3A_92 = tpu.memref_squeeze %dma_wait3A_91 : memref<1x320xi32, #tpu.memory_space<hbm>> -> memref<320xi32, #tpu.memory_space<hbm>>
      tpu.wait_dma2 semaphore(%run_scoped3A : memref<!tpu.dma_semaphore, #tpu.memory_space<semaphore_mem>>) src(%dma_wait3A_92 : memref<320xi32, #tpu.memory_space<hbm>>) dst(%arg5 : memref<320xi32, #tpu.memory_space<vmem>>)
      tpu.yield
    }) : () -> ()
    %dma_wait3A_28 = arith.constant 0 : i32
    %dma_wait3A_29 = tpu.memref_slice %arg4[%add3A_19, %dma_wait3A_28] : memref<40960x128xf32, #tpu.memory_space<hbm>> -> memref<320x128xf32, #tpu.memory_space<hbm>>
    %dma_wait3A_30 = arith.constant 0 : i32
    %dma_wait3A_31 = tpu.memref_slice %arg4[%add3A_19, %dma_wait3A_30] : memref<40960x128xf32, #tpu.memory_space<hbm>> -> memref<320x128xf32, #tpu.memory_space<hbm>>
    tpu.wait_dma2 semaphore(%arg11 : memref<!tpu.dma_semaphore, #tpu.memory_space<semaphore_mem>>) src(%arg7 : memref<320x128xf32, #tpu.memory_space<vmem>>) dst(%dma_wait3A_31 : memref<320x128xf32, #tpu.memory_space<hbm>>)
    %dma_start3A_32 = arith.constant 0 : i32
    %dma_start3A_33 = arith.constant 0 : i32
    %dma_start3A_34 = tpu.memref_slice %arg2[%dma_start3A_32, %dma_start3A_33] : memref<100000x128xf32, #tpu.memory_space<hbm>> -> memref<100000x128xf32, #tpu.memory_space<hbm>>
    tpu.enqueue_indirect_dma source(%dma_start3A_34 : memref<100000x128xf32, #tpu.memory_space<hbm>>) target(%arg7 : memref<320x128xf32, #tpu.memory_space<vmem>>) offsets(%arg5 : memref<320xi32, #tpu.memory_space<vmem>>) semaphore(%arg9 : memref<!tpu.dma_semaphore, #tpu.memory_space<semaphore_mem>>)
    %dma_wait3A_35 = arith.constant 0 : i32
    %dma_wait3A_36 = arith.constant 0 : i32
    %dma_wait3A_37 = tpu.memref_slice %arg2[%dma_wait3A_35, %dma_wait3A_36] : memref<100000x128xf32, #tpu.memory_space<hbm>> -> memref<100000x128xf32, #tpu.memory_space<hbm>>
    tpu.wait_indirect_dma semaphore(%arg10 : memref<!tpu.dma_semaphore, #tpu.memory_space<semaphore_mem>>) src(%dma_wait3A_37 : memref<100000x128xf32, #tpu.memory_space<hbm>>) dst(%arg8 : memref<320x128xf32, #tpu.memory_space<vmem>>)
    %add3A_38 = arith.constant 320 : i32
    %add3A_39 = arith.addi %mul3A_2, %add3A_38 : i32
    %dma_start3A_40 = arith.constant 0 : i32
    %dma_start3A_41 = tpu.memref_slice %arg4[%add3A_39, %dma_start3A_40] : memref<40960x128xf32, #tpu.memory_space<hbm>> -> memref<320x128xf32, #tpu.memory_space<hbm>>
    %dma_start3A_42 = arith.constant 0 : i32
    %dma_start3A_43 = tpu.memref_slice %arg4[%add3A_39, %dma_start3A_42] : memref<40960x128xf32, #tpu.memory_space<hbm>> -> memref<320x128xf32, #tpu.memory_space<hbm>>
    tpu.enqueue_dma source(%arg8 : memref<320x128xf32, #tpu.memory_space<vmem>>) target(%dma_start3A_43 : memref<320x128xf32, #tpu.memory_space<hbm>>) target_semaphore(%arg12 : memref<!tpu.dma_semaphore, #tpu.memory_space<semaphore_mem>>)
    %mul3A_44 = arith.constant 4 : i32
    %mul3A_45 = arith.muli %add3A, %mul3A_44 : i32
    %add3A_46 = arith.constant 3 : i32
    %add3A_47 = arith.addi %mul3A_45, %add3A_46 : i32
    "tpu.region"() ({
      %run_scoped3A = tpu.sem_alloc : memref<!tpu.dma_semaphore, #tpu.memory_space<semaphore_mem>>
      %dma_start3A_81 = arith.constant 0 : i32
      %dma_start3A_82 = tpu.memref_slice %arg3[%add3A_47, %dma_start3A_81] : memref<128x320xi32, #tpu.memory_space<hbm>> -> memref<1x320xi32, #tpu.memory_space<hbm>>
      %dma_start3A_83 = tpu.memref_squeeze %dma_start3A_82 : memref<1x320xi32, #tpu.memory_space<hbm>> -> memref<320xi32, #tpu.memory_space<hbm>>
      %dma_start3A_84 = arith.constant 0 : i32
      %dma_start3A_85 = tpu.memref_slice %arg3[%add3A_47, %dma_start3A_84] : memref<128x320xi32, #tpu.memory_space<hbm>> -> memref<1x320xi32, #tpu.memory_space<hbm>>
      %dma_start3A_86 = tpu.memref_squeeze %dma_start3A_85 : memref<1x320xi32, #tpu.memory_space<hbm>> -> memref<320xi32, #tpu.memory_space<hbm>>
      tpu.enqueue_dma source(%dma_start3A_86 : memref<320xi32, #tpu.memory_space<hbm>>) target(%arg6 : memref<320xi32, #tpu.memory_space<vmem>>) target_semaphore(%run_scoped3A : memref<!tpu.dma_semaphore, #tpu.memory_space<semaphore_mem>>)
      %dma_wait3A_87 = arith.constant 0 : i32
      %dma_wait3A_88 = tpu.memref_slice %arg3[%add3A_47, %dma_wait3A_87] : memref<128x320xi32, #tpu.memory_space<hbm>> -> memref<1x320xi32, #tpu.memory_space<hbm>>
      %dma_wait3A_89 = tpu.memref_squeeze %dma_wait3A_88 : memref<1x320xi32, #tpu.memory_space<hbm>> -> memref<320xi32, #tpu.memory_space<hbm>>
      %dma_wait3A_90 = arith.constant 0 : i32
      %dma_wait3A_91 = tpu.memref_slice %arg3[%add3A_47, %dma_wait3A_90] : memref<128x320xi32, #tpu.memory_space<hbm>> -> memref<1x320xi32, #tpu.memory_space<hbm>>
      %dma_wait3A_92 = tpu.memref_squeeze %dma_wait3A_91 : memref<1x320xi32, #tpu.memory_space<hbm>> -> memref<320xi32, #tpu.memory_space<hbm>>
      tpu.wait_dma2 semaphore(%run_scoped3A : memref<!tpu.dma_semaphore, #tpu.memory_space<semaphore_mem>>) src(%dma_wait3A_92 : memref<320xi32, #tpu.memory_space<hbm>>) dst(%arg6 : memref<320xi32, #tpu.memory_space<vmem>>)
      tpu.yield
    }) : () -> ()
    %dma_wait3A_48 = arith.constant 0 : i32
    %dma_wait3A_49 = tpu.memref_slice %arg4[%add3A_39, %dma_wait3A_48] : memref<40960x128xf32, #tpu.memory_space<hbm>> -> memref<320x128xf32, #tpu.memory_space<hbm>>
    %dma_wait3A_50 = arith.constant 0 : i32
    %dma_wait3A_51 = tpu.memref_slice %arg4[%add3A_39, %dma_wait3A_50] : memref<40960x128xf32, #tpu.memory_space<hbm>> -> memref<320x128xf32, #tpu.memory_space<hbm>>
    tpu.wait_dma2 semaphore(%arg12 : memref<!tpu.dma_semaphore, #tpu.memory_space<semaphore_mem>>) src(%arg8 : memref<320x128xf32, #tpu.memory_space<vmem>>) dst(%dma_wait3A_51 : memref<320x128xf32, #tpu.memory_space<hbm>>)
    %dma_start3A_52 = arith.constant 0 : i32
    %dma_start3A_53 = arith.constant 0 : i32
    %dma_start3A_54 = tpu.memref_slice %arg2[%dma_start3A_52, %dma_start3A_53] : memref<100000x128xf32, #tpu.memory_space<hbm>> -> memref<100000x128xf32, #tpu.memory_space<hbm>>
    tpu.enqueue_indirect_dma source(%dma_start3A_54 : memref<100000x128xf32, #tpu.memory_space<hbm>>) target(%arg8 : memref<320x128xf32, #tpu.memory_space<vmem>>) offsets(%arg6 : memref<320xi32, #tpu.memory_space<vmem>>) semaphore(%arg10 : memref<!tpu.dma_semaphore, #tpu.memory_space<semaphore_mem>>)
    %dma_wait3A_55 = arith.constant 0 : i32
    %dma_wait3A_56 = arith.constant 0 : i32
    %dma_wait3A_57 = tpu.memref_slice %arg2[%dma_wait3A_55, %dma_wait3A_56] : memref<100000x128xf32, #tpu.memory_space<hbm>> -> memref<100000x128xf32, #tpu.memory_space<hbm>>
    tpu.wait_indirect_dma semaphore(%arg9 : memref<!tpu.dma_semaphore, #tpu.memory_space<semaphore_mem>>) src(%dma_wait3A_57 : memref<100000x128xf32, #tpu.memory_space<hbm>>) dst(%arg7 : memref<320x128xf32, #tpu.memory_space<vmem>>)
    %add3A_58 = arith.constant 640 : i32
    %add3A_59 = arith.addi %mul3A_2, %add3A_58 : i32
    %dma_start3A_60 = arith.constant 0 : i32
    %dma_start3A_61 = tpu.memref_slice %arg4[%add3A_59, %dma_start3A_60] : memref<40960x128xf32, #tpu.memory_space<hbm>> -> memref<320x128xf32, #tpu.memory_space<hbm>>
    %dma_start3A_62 = arith.constant 0 : i32
    %dma_start3A_63 = tpu.memref_slice %arg4[%add3A_59, %dma_start3A_62] : memref<40960x128xf32, #tpu.memory_space<hbm>> -> memref<320x128xf32, #tpu.memory_space<hbm>>
    tpu.enqueue_dma source(%arg7 : memref<320x128xf32, #tpu.memory_space<vmem>>) target(%dma_start3A_63 : memref<320x128xf32, #tpu.memory_space<hbm>>) target_semaphore(%arg11 : memref<!tpu.dma_semaphore, #tpu.memory_space<semaphore_mem>>)
    %dma_wait3A_64 = arith.constant 0 : i32
    %dma_wait3A_65 = arith.constant 0 : i32
    %dma_wait3A_66 = tpu.memref_slice %arg2[%dma_wait3A_64, %dma_wait3A_65] : memref<100000x128xf32, #tpu.memory_space<hbm>> -> memref<100000x128xf32, #tpu.memory_space<hbm>>
    tpu.wait_indirect_dma semaphore(%arg10 : memref<!tpu.dma_semaphore, #tpu.memory_space<semaphore_mem>>) src(%dma_wait3A_66 : memref<100000x128xf32, #tpu.memory_space<hbm>>) dst(%arg8 : memref<320x128xf32, #tpu.memory_space<vmem>>)
    %add3A_67 = arith.constant 960 : i32
    %add3A_68 = arith.addi %mul3A_2, %add3A_67 : i32
    %dma_start3A_69 = arith.constant 0 : i32
    %dma_start3A_70 = tpu.memref_slice %arg4[%add3A_68, %dma_start3A_69] : memref<40960x128xf32, #tpu.memory_space<hbm>> -> memref<320x128xf32, #tpu.memory_space<hbm>>
    %dma_start3A_71 = arith.constant 0 : i32
    %dma_start3A_72 = tpu.memref_slice %arg4[%add3A_68, %dma_start3A_71] : memref<40960x128xf32, #tpu.memory_space<hbm>> -> memref<320x128xf32, #tpu.memory_space<hbm>>
    tpu.enqueue_dma source(%arg8 : memref<320x128xf32, #tpu.memory_space<vmem>>) target(%dma_start3A_72 : memref<320x128xf32, #tpu.memory_space<hbm>>) target_semaphore(%arg12 : memref<!tpu.dma_semaphore, #tpu.memory_space<semaphore_mem>>)
    %dma_wait3A_73 = arith.constant 0 : i32
    %dma_wait3A_74 = tpu.memref_slice %arg4[%add3A_68, %dma_wait3A_73] : memref<40960x128xf32, #tpu.memory_space<hbm>> -> memref<320x128xf32, #tpu.memory_space<hbm>>
    %dma_wait3A_75 = arith.constant 0 : i32
    %dma_wait3A_76 = tpu.memref_slice %arg4[%add3A_68, %dma_wait3A_75] : memref<40960x128xf32, #tpu.memory_space<hbm>> -> memref<320x128xf32, #tpu.memory_space<hbm>>
    tpu.wait_dma2 semaphore(%arg12 : memref<!tpu.dma_semaphore, #tpu.memory_space<semaphore_mem>>) src(%arg8 : memref<320x128xf32, #tpu.memory_space<vmem>>) dst(%dma_wait3A_76 : memref<320x128xf32, #tpu.memory_space<hbm>>)
    %dma_wait3A_77 = arith.constant 0 : i32
    %dma_wait3A_78 = tpu.memref_slice %arg4[%add3A_59, %dma_wait3A_77] : memref<40960x128xf32, #tpu.memory_space<hbm>> -> memref<320x128xf32, #tpu.memory_space<hbm>>
    %dma_wait3A_79 = arith.constant 0 : i32
    %dma_wait3A_80 = tpu.memref_slice %arg4[%add3A_59, %dma_wait3A_79] : memref<40960x128xf32, #tpu.memory_space<hbm>> -> memref<320x128xf32, #tpu.memory_space<hbm>>
    tpu.wait_dma2 semaphore(%arg11 : memref<!tpu.dma_semaphore, #tpu.memory_space<semaphore_mem>>) src(%arg7 : memref<320x128xf32, #tpu.memory_space<vmem>>) dst(%dma_wait3A_80 : memref<320x128xf32, #tpu.memory_space<hbm>>)
    return
  }
}

#map = affine_map<(d0, d1) -> (0, 0)>
module attributes {stable_mosaic.version = 14 : i64} {
  func.func @gather_kernel(%arg0: i32, %arg1: i32, %arg2: memref<100000x128xf32, #tpu.memory_space<hbm>>, %arg3: memref<64x160xi32, #tpu.memory_space<hbm>>, %arg4: memref<10240x128xf32, #tpu.memory_space<hbm>>, %arg5: memref<160xi32, #tpu.memory_space<vmem>>, %arg6: memref<160xi32, #tpu.memory_space<vmem>>, %arg7: memref<160x128xf32, #tpu.memory_space<vmem>>, %arg8: memref<160x128xf32, #tpu.memory_space<vmem>>, %arg9: memref<!tpu.dma_semaphore, #tpu.memory_space<semaphore_mem>>, %arg10: memref<!tpu.dma_semaphore, #tpu.memory_space<semaphore_mem>>, %arg11: memref<!tpu.dma_semaphore, #tpu.memory_space<semaphore_mem>>, %arg12: memref<!tpu.dma_semaphore, #tpu.memory_space<semaphore_mem>>) attributes {dimension_semantics = [#tpu.dimension_semantics<core_parallel>, #tpu.dimension_semantics<subcore_parallel>], iteration_bounds = array<i64: 2, 16>, scalar_prefetch = 0 : i64, scratch_operands = 8 : i64, tpu.core_type = #tpu.core_type<sc_vector_subcore>, window_params = [{transform_indices = #map}, {transform_indices = #map}, {transform_indices = #map}]} {
    %mul3A = arith.constant 2 : i32
    %mul3A_0 = arith.muli %arg1, %mul3A : i32
    %add3A = arith.addi %mul3A_0, %arg0 : i32
    %mul3A_1 = arith.constant 320 : i32
    %mul3A_2 = arith.muli %add3A, %mul3A_1 : i32
    %mul3A_3 = arith.constant 2 : i32
    %mul3A_4 = arith.muli %add3A, %mul3A_3 : i32
    %add3A_5 = arith.constant 0 : i32
    %add3A_6 = arith.addi %mul3A_4, %add3A_5 : i32
    "tpu.region"() ({
      %run_scoped3A = tpu.sem_alloc : memref<!tpu.dma_semaphore, #tpu.memory_space<semaphore_mem>>
      %dma_start3A_41 = arith.constant 0 : i32
      %dma_start3A_42 = tpu.memref_slice %arg3[%add3A_6, %dma_start3A_41] : memref<64x160xi32, #tpu.memory_space<hbm>> -> memref<1x160xi32, #tpu.memory_space<hbm>>
      %dma_start3A_43 = tpu.memref_squeeze %dma_start3A_42 : memref<1x160xi32, #tpu.memory_space<hbm>> -> memref<160xi32, #tpu.memory_space<hbm>>
      %dma_start3A_44 = arith.constant 0 : i32
      %dma_start3A_45 = tpu.memref_slice %arg3[%add3A_6, %dma_start3A_44] : memref<64x160xi32, #tpu.memory_space<hbm>> -> memref<1x160xi32, #tpu.memory_space<hbm>>
      %dma_start3A_46 = tpu.memref_squeeze %dma_start3A_45 : memref<1x160xi32, #tpu.memory_space<hbm>> -> memref<160xi32, #tpu.memory_space<hbm>>
      tpu.enqueue_dma source(%dma_start3A_46 : memref<160xi32, #tpu.memory_space<hbm>>) target(%arg5 : memref<160xi32, #tpu.memory_space<vmem>>) target_semaphore(%run_scoped3A : memref<!tpu.dma_semaphore, #tpu.memory_space<semaphore_mem>>)
      %dma_wait3A_47 = arith.constant 0 : i32
      %dma_wait3A_48 = tpu.memref_slice %arg3[%add3A_6, %dma_wait3A_47] : memref<64x160xi32, #tpu.memory_space<hbm>> -> memref<1x160xi32, #tpu.memory_space<hbm>>
      %dma_wait3A_49 = tpu.memref_squeeze %dma_wait3A_48 : memref<1x160xi32, #tpu.memory_space<hbm>> -> memref<160xi32, #tpu.memory_space<hbm>>
      %dma_wait3A_50 = arith.constant 0 : i32
      %dma_wait3A_51 = tpu.memref_slice %arg3[%add3A_6, %dma_wait3A_50] : memref<64x160xi32, #tpu.memory_space<hbm>> -> memref<1x160xi32, #tpu.memory_space<hbm>>
      %dma_wait3A_52 = tpu.memref_squeeze %dma_wait3A_51 : memref<1x160xi32, #tpu.memory_space<hbm>> -> memref<160xi32, #tpu.memory_space<hbm>>
      tpu.wait_dma2 semaphore(%run_scoped3A : memref<!tpu.dma_semaphore, #tpu.memory_space<semaphore_mem>>) src(%dma_wait3A_52 : memref<160xi32, #tpu.memory_space<hbm>>) dst(%arg5 : memref<160xi32, #tpu.memory_space<vmem>>)
      tpu.yield
    }) : () -> ()
    %dma_start3A = arith.constant 0 : i32
    %dma_start3A_7 = arith.constant 0 : i32
    %dma_start3A_8 = tpu.memref_slice %arg2[%dma_start3A, %dma_start3A_7] : memref<100000x128xf32, #tpu.memory_space<hbm>> -> memref<100000x128xf32, #tpu.memory_space<hbm>>
    tpu.enqueue_indirect_dma source(%dma_start3A_8 : memref<100000x128xf32, #tpu.memory_space<hbm>>) target(%arg7 : memref<160x128xf32, #tpu.memory_space<vmem>>) offsets(%arg5 : memref<160xi32, #tpu.memory_space<vmem>>) semaphore(%arg9 : memref<!tpu.dma_semaphore, #tpu.memory_space<semaphore_mem>>)
    %mul3A_9 = arith.constant 2 : i32
    %mul3A_10 = arith.muli %add3A, %mul3A_9 : i32
    %add3A_11 = arith.constant 1 : i32
    %add3A_12 = arith.addi %mul3A_10, %add3A_11 : i32
    "tpu.region"() ({
      %run_scoped3A = tpu.sem_alloc : memref<!tpu.dma_semaphore, #tpu.memory_space<semaphore_mem>>
      %dma_start3A_41 = arith.constant 0 : i32
      %dma_start3A_42 = tpu.memref_slice %arg3[%add3A_12, %dma_start3A_41] : memref<64x160xi32, #tpu.memory_space<hbm>> -> memref<1x160xi32, #tpu.memory_space<hbm>>
      %dma_start3A_43 = tpu.memref_squeeze %dma_start3A_42 : memref<1x160xi32, #tpu.memory_space<hbm>> -> memref<160xi32, #tpu.memory_space<hbm>>
      %dma_start3A_44 = arith.constant 0 : i32
      %dma_start3A_45 = tpu.memref_slice %arg3[%add3A_12, %dma_start3A_44] : memref<64x160xi32, #tpu.memory_space<hbm>> -> memref<1x160xi32, #tpu.memory_space<hbm>>
      %dma_start3A_46 = tpu.memref_squeeze %dma_start3A_45 : memref<1x160xi32, #tpu.memory_space<hbm>> -> memref<160xi32, #tpu.memory_space<hbm>>
      tpu.enqueue_dma source(%dma_start3A_46 : memref<160xi32, #tpu.memory_space<hbm>>) target(%arg6 : memref<160xi32, #tpu.memory_space<vmem>>) target_semaphore(%run_scoped3A : memref<!tpu.dma_semaphore, #tpu.memory_space<semaphore_mem>>)
      %dma_wait3A_47 = arith.constant 0 : i32
      %dma_wait3A_48 = tpu.memref_slice %arg3[%add3A_12, %dma_wait3A_47] : memref<64x160xi32, #tpu.memory_space<hbm>> -> memref<1x160xi32, #tpu.memory_space<hbm>>
      %dma_wait3A_49 = tpu.memref_squeeze %dma_wait3A_48 : memref<1x160xi32, #tpu.memory_space<hbm>> -> memref<160xi32, #tpu.memory_space<hbm>>
      %dma_wait3A_50 = arith.constant 0 : i32
      %dma_wait3A_51 = tpu.memref_slice %arg3[%add3A_12, %dma_wait3A_50] : memref<64x160xi32, #tpu.memory_space<hbm>> -> memref<1x160xi32, #tpu.memory_space<hbm>>
      %dma_wait3A_52 = tpu.memref_squeeze %dma_wait3A_51 : memref<1x160xi32, #tpu.memory_space<hbm>> -> memref<160xi32, #tpu.memory_space<hbm>>
      tpu.wait_dma2 semaphore(%run_scoped3A : memref<!tpu.dma_semaphore, #tpu.memory_space<semaphore_mem>>) src(%dma_wait3A_52 : memref<160xi32, #tpu.memory_space<hbm>>) dst(%arg6 : memref<160xi32, #tpu.memory_space<vmem>>)
      tpu.yield
    }) : () -> ()
    %dma_start3A_13 = arith.constant 0 : i32
    %dma_start3A_14 = arith.constant 0 : i32
    %dma_start3A_15 = tpu.memref_slice %arg2[%dma_start3A_13, %dma_start3A_14] : memref<100000x128xf32, #tpu.memory_space<hbm>> -> memref<100000x128xf32, #tpu.memory_space<hbm>>
    tpu.enqueue_indirect_dma source(%dma_start3A_15 : memref<100000x128xf32, #tpu.memory_space<hbm>>) target(%arg8 : memref<160x128xf32, #tpu.memory_space<vmem>>) offsets(%arg6 : memref<160xi32, #tpu.memory_space<vmem>>) semaphore(%arg10 : memref<!tpu.dma_semaphore, #tpu.memory_space<semaphore_mem>>)
    %dma_wait3A = arith.constant 0 : i32
    %dma_wait3A_16 = arith.constant 0 : i32
    %dma_wait3A_17 = tpu.memref_slice %arg2[%dma_wait3A, %dma_wait3A_16] : memref<100000x128xf32, #tpu.memory_space<hbm>> -> memref<100000x128xf32, #tpu.memory_space<hbm>>
    tpu.wait_indirect_dma semaphore(%arg9 : memref<!tpu.dma_semaphore, #tpu.memory_space<semaphore_mem>>) src(%dma_wait3A_17 : memref<100000x128xf32, #tpu.memory_space<hbm>>) dst(%arg7 : memref<160x128xf32, #tpu.memory_space<vmem>>)
    %add3A_18 = arith.constant 0 : i32
    %add3A_19 = arith.addi %mul3A_2, %add3A_18 : i32
    %dma_start3A_20 = arith.constant 0 : i32
    %dma_start3A_21 = tpu.memref_slice %arg4[%add3A_19, %dma_start3A_20] : memref<10240x128xf32, #tpu.memory_space<hbm>> -> memref<160x128xf32, #tpu.memory_space<hbm>>
    %dma_start3A_22 = arith.constant 0 : i32
    %dma_start3A_23 = tpu.memref_slice %arg4[%add3A_19, %dma_start3A_22] : memref<10240x128xf32, #tpu.memory_space<hbm>> -> memref<160x128xf32, #tpu.memory_space<hbm>>
    tpu.enqueue_dma source(%arg7 : memref<160x128xf32, #tpu.memory_space<vmem>>) target(%dma_start3A_23 : memref<160x128xf32, #tpu.memory_space<hbm>>) target_semaphore(%arg11 : memref<!tpu.dma_semaphore, #tpu.memory_space<semaphore_mem>>)
    %dma_wait3A_24 = arith.constant 0 : i32
    %dma_wait3A_25 = arith.constant 0 : i32
    %dma_wait3A_26 = tpu.memref_slice %arg2[%dma_wait3A_24, %dma_wait3A_25] : memref<100000x128xf32, #tpu.memory_space<hbm>> -> memref<100000x128xf32, #tpu.memory_space<hbm>>
    tpu.wait_indirect_dma semaphore(%arg10 : memref<!tpu.dma_semaphore, #tpu.memory_space<semaphore_mem>>) src(%dma_wait3A_26 : memref<100000x128xf32, #tpu.memory_space<hbm>>) dst(%arg8 : memref<160x128xf32, #tpu.memory_space<vmem>>)
    %add3A_27 = arith.constant 160 : i32
    %add3A_28 = arith.addi %mul3A_2, %add3A_27 : i32
    %dma_start3A_29 = arith.constant 0 : i32
    %dma_start3A_30 = tpu.memref_slice %arg4[%add3A_28, %dma_start3A_29] : memref<10240x128xf32, #tpu.memory_space<hbm>> -> memref<160x128xf32, #tpu.memory_space<hbm>>
    %dma_start3A_31 = arith.constant 0 : i32
    %dma_start3A_32 = tpu.memref_slice %arg4[%add3A_28, %dma_start3A_31] : memref<10240x128xf32, #tpu.memory_space<hbm>> -> memref<160x128xf32, #tpu.memory_space<hbm>>
    tpu.enqueue_dma source(%arg8 : memref<160x128xf32, #tpu.memory_space<vmem>>) target(%dma_start3A_32 : memref<160x128xf32, #tpu.memory_space<hbm>>) target_semaphore(%arg12 : memref<!tpu.dma_semaphore, #tpu.memory_space<semaphore_mem>>)
    %dma_wait3A_33 = arith.constant 0 : i32
    %dma_wait3A_34 = tpu.memref_slice %arg4[%add3A_28, %dma_wait3A_33] : memref<10240x128xf32, #tpu.memory_space<hbm>> -> memref<160x128xf32, #tpu.memory_space<hbm>>
    %dma_wait3A_35 = arith.constant 0 : i32
    %dma_wait3A_36 = tpu.memref_slice %arg4[%add3A_28, %dma_wait3A_35] : memref<10240x128xf32, #tpu.memory_space<hbm>> -> memref<160x128xf32, #tpu.memory_space<hbm>>
    tpu.wait_dma2 semaphore(%arg12 : memref<!tpu.dma_semaphore, #tpu.memory_space<semaphore_mem>>) src(%arg8 : memref<160x128xf32, #tpu.memory_space<vmem>>) dst(%dma_wait3A_36 : memref<160x128xf32, #tpu.memory_space<hbm>>)
    %dma_wait3A_37 = arith.constant 0 : i32
    %dma_wait3A_38 = tpu.memref_slice %arg4[%add3A_19, %dma_wait3A_37] : memref<10240x128xf32, #tpu.memory_space<hbm>> -> memref<160x128xf32, #tpu.memory_space<hbm>>
    %dma_wait3A_39 = arith.constant 0 : i32
    %dma_wait3A_40 = tpu.memref_slice %arg4[%add3A_19, %dma_wait3A_39] : memref<10240x128xf32, #tpu.memory_space<hbm>> -> memref<160x128xf32, #tpu.memory_space<hbm>>
    tpu.wait_dma2 semaphore(%arg11 : memref<!tpu.dma_semaphore, #tpu.memory_space<semaphore_mem>>) src(%arg7 : memref<160x128xf32, #tpu.memory_space<vmem>>) dst(%dma_wait3A_40 : memref<160x128xf32, #tpu.memory_space<hbm>>)
    return
  }
}

module attributes {stable_mosaic.version = 14 : i64} {
  func.func @body(%arg0: i32, %arg1: memref<1x1024x128xf32, #tpu.memory_space<vmem>>, %arg2: memref<384x1024xbf16, #tpu.memory_space<vmem>>, %arg3: memref<1x1024xf32, #tpu.memory_space<vmem>>, %arg4: memref<512x1024xbf16, #tpu.memory_space<vmem>>, %arg5: memref<1x1024xf32, #tpu.memory_space<vmem>>, %arg6: memref<2x1024x256xbf16, #tpu.memory_space<vmem>>, %arg7: memref<2x1024x256xf32, #tpu.memory_space<vmem>>, %arg8: memref<1024x640xbf16, #tpu.memory_space<vmem>>, %arg9: memref<1024x256xf32, #tpu.memory_space<vmem>>, %arg10: memref<1024x256xf32, #tpu.memory_space<vmem>>) attributes {dimension_semantics = [#tpu.dimension_semantics<arbitrary>], iteration_bounds = array<i64: 10>, scalar_prefetch = 0 : i64, scratch_operands = 3 : i64, tpu.core_type = #tpu.core_type<tc>, window_params = [{transform_indices = @transform_0, window_bounds = array<i64: 1, 1024, 128>}, {pipeline_mode = #tpu.pipeline_mode<synchronous>, transform_indices = @transform_1, window_bounds = array<i64: 384, 1024>}, {pipeline_mode = #tpu.pipeline_mode<synchronous>, transform_indices = @transform_2, window_bounds = array<i64: 1, 1024>}, {pipeline_mode = #tpu.pipeline_mode<synchronous>, transform_indices = @transform_3, window_bounds = array<i64: 512, 1024>}, {pipeline_mode = #tpu.pipeline_mode<synchronous>, transform_indices = @transform_4, window_bounds = array<i64: 1, 1024>}, {pipeline_mode = #tpu.pipeline_mode<synchronous>, transform_indices = @transform_5, window_bounds = array<i64: 2, 1024, 256>}, {pipeline_mode = #tpu.pipeline_mode<synchronous>, transform_indices = @transform_6, window_bounds = array<i64: 2, 1024, 256>}]} {
    %eq3A = arith.constant 0 : i32
    %eq3A_0 = arith.cmpi eq, %arg0, %eq3A : i32
    %convert_element_type3A = arith.extui %eq3A_0 : i1 to i32
    %cond3A = arith.constant 0 : i32
    %cond3A_1 = arith.cmpi ne, %convert_element_type3A, %cond3A : i32
    scf.if %cond3A_1 {
      %broadcast_in_dim3A_545 = arith.constant 0.000000e+00 : bf16
      %broadcast_in_dim3A_546 = vector.broadcast %broadcast_in_dim3A_545 : bf16 to vector<1024x512xbf16>
      %swap3A_547 = arith.constant 0 : index
      %swap3A_548 = arith.constant 128 : index
      %swap3A_549 = vector.load %arg8[%swap3A_547, %swap3A_548] : memref<1024x640xbf16, #tpu.memory_space<vmem>>, vector<1024x512xbf16>
      tpu.vector_store %arg8[%swap3A_547, %swap3A_548], %broadcast_in_dim3A_546 {strides = array<i32>} : memref<1024x640xbf16, #tpu.memory_space<vmem>>, vector<1024x512xbf16>,
      %broadcast_in_dim3A_550 = arith.constant 0.000000e+00 : f32
      %broadcast_in_dim3A_551 = vector.broadcast %broadcast_in_dim3A_550 : f32 to vector<1024x256xf32>
      %swap3A_552 = arith.constant 0 : index
      %swap3A_553 = arith.constant 0 : index
      %swap3A_554 = vector.load %arg9[%swap3A_552, %swap3A_553] : memref<1024x256xf32, #tpu.memory_space<vmem>>, vector<1024x256xf32>
      tpu.vector_store %arg9[%swap3A_552, %swap3A_553], %broadcast_in_dim3A_551 {strides = array<i32>} : memref<1024x256xf32, #tpu.memory_space<vmem>>, vector<1024x256xf32>,
      %broadcast_in_dim3A_555 = arith.constant 0.000000e+00 : f32
      %broadcast_in_dim3A_556 = vector.broadcast %broadcast_in_dim3A_555 : f32 to vector<1024x256xf32>
      %swap3A_557 = arith.constant 0 : index
      %swap3A_558 = arith.constant 0 : index
      %swap3A_559 = vector.load %arg10[%swap3A_557, %swap3A_558] : memref<1024x256xf32, #tpu.memory_space<vmem>>, vector<1024x256xf32>
      tpu.vector_store %arg10[%swap3A_557, %swap3A_558], %broadcast_in_dim3A_556 {strides = array<i32>} : memref<1024x256xf32, #tpu.memory_space<vmem>>, vector<1024x256xf32>,
    } else {
    }
    %get3A = arith.constant 0 : index
    %get3A_2 = arith.constant 0 : index
    %get3A_3 = arith.constant 0 : index
    %get3A_4 = vector.load %arg1[%get3A, %get3A_2, %get3A_3] : memref<1x1024x128xf32, #tpu.memory_space<vmem>>, vector<1x256x128xf32>
    %get3A_5 = vector.shape_cast %get3A_4 : vector<1x256x128xf32> to vector<256x128xf32>
    %convert_element_type3A_6 = arith.truncf %get3A_5 : vector<256x128xf32> to vector<256x128xbf16>
    %swap3A = arith.constant 0 : index
    %swap3A_7 = arith.constant 0 : index
    %swap3A_8 = vector.load %arg8[%swap3A, %swap3A_7] : memref<1024x640xbf16, #tpu.memory_space<vmem>>, vector<256x128xbf16>
    tpu.vector_store %arg8[%swap3A, %swap3A_7], %convert_element_type3A_6 {strides = array<i32>} : memref<1024x640xbf16, #tpu.memory_space<vmem>>, vector<256x128xbf16>,
    %get3A_9 = arith.constant 0 : index
    %get3A_10 = arith.constant 256 : index
    %get3A_11 = arith.constant 0 : index
    %get3A_12 = vector.load %arg1[%get3A_9, %get3A_10, %get3A_11] : memref<1x1024x128xf32, #tpu.memory_space<vmem>>, vector<1x256x128xf32>
    %get3A_13 = vector.shape_cast %get3A_12 : vector<1x256x128xf32> to vector<256x128xf32>
    %convert_element_type3A_14 = arith.truncf %get3A_13 : vector<256x128xf32> to vector<256x128xbf16>
    %swap3A_15 = arith.constant 256 : index
    %swap3A_16 = arith.constant 0 : index
    %swap3A_17 = vector.load %arg8[%swap3A_15, %swap3A_16] : memref<1024x640xbf16, #tpu.memory_space<vmem>>, vector<256x128xbf16>
    tpu.vector_store %arg8[%swap3A_15, %swap3A_16], %convert_element_type3A_14 {strides = array<i32>} : memref<1024x640xbf16, #tpu.memory_space<vmem>>, vector<256x128xbf16>,
    %get3A_18 = arith.constant 0 : index
    %get3A_19 = arith.constant 512 : index
    %get3A_20 = arith.constant 0 : index
    %get3A_21 = vector.load %arg1[%get3A_18, %get3A_19, %get3A_20] : memref<1x1024x128xf32, #tpu.memory_space<vmem>>, vector<1x256x128xf32>
    %get3A_22 = vector.shape_cast %get3A_21 : vector<1x256x128xf32> to vector<256x128xf32>
    %convert_element_type3A_23 = arith.truncf %get3A_22 : vector<256x128xf32> to vector<256x128xbf16>
    %swap3A_24 = arith.constant 512 : index
    %swap3A_25 = arith.constant 0 : index
    %swap3A_26 = vector.load %arg8[%swap3A_24, %swap3A_25] : memref<1024x640xbf16, #tpu.memory_space<vmem>>, vector<256x128xbf16>
    tpu.vector_store %arg8[%swap3A_24, %swap3A_25], %convert_element_type3A_23 {strides = array<i32>} : memref<1024x640xbf16, #tpu.memory_space<vmem>>, vector<256x128xbf16>,
    %get3A_27 = arith.constant 0 : index
    %get3A_28 = arith.constant 768 : index
    %get3A_29 = arith.constant 0 : index
    %get3A_30 = vector.load %arg1[%get3A_27, %get3A_28, %get3A_29] : memref<1x1024x128xf32, #tpu.memory_space<vmem>>, vector<1x256x128xf32>
    %get3A_31 = vector.shape_cast %get3A_30 : vector<1x256x128xf32> to vector<256x128xf32>
    %convert_element_type3A_32 = arith.truncf %get3A_31 : vector<256x128xf32> to vector<256x128xbf16>
    %swap3A_33 = arith.constant 768 : index
    %swap3A_34 = arith.constant 0 : index
    %swap3A_35 = vector.load %arg8[%swap3A_33, %swap3A_34] : memref<1024x640xbf16, #tpu.memory_space<vmem>>, vector<256x128xbf16>
    tpu.vector_store %arg8[%swap3A_33, %swap3A_34], %convert_element_type3A_32 {strides = array<i32>} : memref<1024x640xbf16, #tpu.memory_space<vmem>>, vector<256x128xbf16>,
    %get3A_36 = arith.constant 0 : index
    %get3A_37 = arith.constant 0 : index
    %get3A_38 = vector.load %arg2[%get3A_36, %get3A_37] : memref<384x1024xbf16, #tpu.memory_space<vmem>>, vector<384x1024xbf16>
    %get3A_39 = arith.constant 0 : index
    %get3A_40 = arith.constant 0 : index
    %get3A_41 = vector.load %arg4[%get3A_39, %get3A_40] : memref<512x1024xbf16, #tpu.memory_space<vmem>>, vector<512x1024xbf16>
    %get3A_42 = arith.constant 0 : index
    %get3A_43 = arith.constant 0 : index
    %get3A_44 = vector.load %arg3[%get3A_42, %get3A_43] : memref<1x1024xf32, #tpu.memory_space<vmem>>, vector<1x1024xf32>
    %get3A_45 = vector.shape_cast %get3A_44 : vector<1x1024xf32> to vector<1024xf32>
    %get3A_46 = arith.constant 0 : index
    %get3A_47 = arith.constant 0 : index
    %get3A_48 = vector.load %arg5[%get3A_46, %get3A_47] : memref<1x1024xf32, #tpu.memory_space<vmem>>, vector<1x1024xf32>
    %get3A_49 = vector.shape_cast %get3A_48 : vector<1x1024xf32> to vector<1024xf32>
    %get3A_50 = arith.constant 0 : index
    %get3A_51 = arith.constant 0 : index
    %get3A_52 = vector.load %arg8[%get3A_50, %get3A_51] : memref<1024x640xbf16, #tpu.memory_space<vmem>>, vector<256x384xbf16>
    %get3A_53 = arith.constant 0 : index
    %get3A_54 = arith.constant 0 : index
    %get3A_55 = vector.load %arg9[%get3A_53, %get3A_54] : memref<1024x256xf32, #tpu.memory_space<vmem>>, vector<256x256xf32>
    %dot_general3A = arith.constant dense<0.000000e+00> : vector<256x1024xf32>
    %dot_general3A_56 = tpu.matmul %get3A_52, %get3A_38, %dot_general3A {dimension_numbers = #tpu.dot_dimension_numbers<[1], [0], [0], [1], [0, 0, 1, 1], [], []>, transpose_lhs_hint = false} : vector<256x384xbf16>, vector<384x1024xbf16>, vector<256x1024xf32> -> vector<256x1024xf32>
    %slice3A = vector.extract_strided_slice %dot_general3A_56 {offsets = [0, 0], sizes = [256, 256], strides = [1, 1]} : vector<256x1024xf32> to vector<256x256xf32>
    %slice3A_57 = vector.extract_strided_slice %get3A_45 {offsets = [0], sizes = [256], strides = [1]} : vector<1024xf32> to vector<256xf32>
    %broadcast_in_dim3A = vector.shape_cast %slice3A_57 : vector<256xf32> to vector<1x256xf32>
    %add3A = vector.broadcast %broadcast_in_dim3A : vector<1x256xf32> to vector<256x256xf32>
    %add3A_58 = arith.addf %slice3A, %add3A : vector<256x256xf32>
    %tanh3A = math.tanh %add3A_58 : vector<256x256xf32>
    %mul3A = arith.constant 5.000000e-01 : f32
    %mul3A_59 = vector.broadcast %mul3A : f32 to vector<256x256xf32>
    %mul3A_60 = arith.mulf %mul3A_59, %tanh3A : vector<256x256xf32>
    %add3A_61 = arith.constant 5.000000e-01 : f32
    %add3A_62 = vector.broadcast %add3A_61 : f32 to vector<256x256xf32>
    %add3A_63 = arith.addf %mul3A_60, %add3A_62 : vector<256x256xf32>
    %slice3A_64 = vector.extract_strided_slice %dot_general3A_56 {offsets = [0, 256], sizes = [256, 256], strides = [1, 1]} : vector<256x1024xf32> to vector<256x256xf32>
    %slice3A_65 = vector.extract_strided_slice %get3A_45 {offsets = [256], sizes = [256], strides = [1]} : vector<1024xf32> to vector<256xf32>
    %broadcast_in_dim3A_66 = vector.shape_cast %slice3A_65 : vector<256xf32> to vector<1x256xf32>
    %add3A_67 = vector.broadcast %broadcast_in_dim3A_66 : vector<1x256xf32> to vector<256x256xf32>
    %add3A_68 = arith.addf %slice3A_64, %add3A_67 : vector<256x256xf32>
    %tanh3A_69 = math.tanh %add3A_68 : vector<256x256xf32>
    %mul3A_70 = arith.constant 5.000000e-01 : f32
    %mul3A_71 = vector.broadcast %mul3A_70 : f32 to vector<256x256xf32>
    %mul3A_72 = arith.mulf %mul3A_71, %tanh3A_69 : vector<256x256xf32>
    %add3A_73 = arith.constant 5.000000e-01 : f32
    %add3A_74 = vector.broadcast %add3A_73 : f32 to vector<256x256xf32>
    %add3A_75 = arith.addf %mul3A_72, %add3A_74 : vector<256x256xf32>
    %slice3A_76 = vector.extract_strided_slice %dot_general3A_56 {offsets = [0, 512], sizes = [256, 256], strides = [1, 1]} : vector<256x1024xf32> to vector<256x256xf32>
    %slice3A_77 = vector.extract_strided_slice %get3A_45 {offsets = [512], sizes = [256], strides = [1]} : vector<1024xf32> to vector<256xf32>
    %broadcast_in_dim3A_78 = vector.shape_cast %slice3A_77 : vector<256xf32> to vector<1x256xf32>
    %add3A_79 = vector.broadcast %broadcast_in_dim3A_78 : vector<1x256xf32> to vector<256x256xf32>
    %add3A_80 = arith.addf %slice3A_76, %add3A_79 : vector<256x256xf32>
    %tanh3A_81 = math.tanh %add3A_80 : vector<256x256xf32>
    %slice3A_82 = vector.extract_strided_slice %dot_general3A_56 {offsets = [0, 768], sizes = [256, 256], strides = [1, 1]} : vector<256x1024xf32> to vector<256x256xf32>
    %slice3A_83 = vector.extract_strided_slice %get3A_45 {offsets = [768], sizes = [256], strides = [1]} : vector<1024xf32> to vector<256xf32>
    %broadcast_in_dim3A_84 = vector.shape_cast %slice3A_83 : vector<256xf32> to vector<1x256xf32>
    %add3A_85 = vector.broadcast %broadcast_in_dim3A_84 : vector<1x256xf32> to vector<256x256xf32>
    %add3A_86 = arith.addf %slice3A_82, %add3A_85 : vector<256x256xf32>
    %tanh3A_87 = math.tanh %add3A_86 : vector<256x256xf32>
    %mul3A_88 = arith.constant 5.000000e-01 : f32
    %mul3A_89 = vector.broadcast %mul3A_88 : f32 to vector<256x256xf32>
    %mul3A_90 = arith.mulf %mul3A_89, %tanh3A_87 : vector<256x256xf32>
    %add3A_91 = arith.constant 5.000000e-01 : f32
    %add3A_92 = vector.broadcast %add3A_91 : f32 to vector<256x256xf32>
    %add3A_93 = arith.addf %mul3A_90, %add3A_92 : vector<256x256xf32>
    %mul3A_94 = arith.mulf %add3A_75, %get3A_55 : vector<256x256xf32>
    %mul3A_95 = arith.mulf %add3A_63, %tanh3A_81 : vector<256x256xf32>
    %add3A_96 = arith.addf %mul3A_94, %mul3A_95 : vector<256x256xf32>
    %tanh3A_97 = math.tanh %add3A_96 : vector<256x256xf32>
    %mul3A_98 = arith.mulf %add3A_93, %tanh3A_97 : vector<256x256xf32>
    %convert_element_type3A_99 = arith.truncf %mul3A_98 : vector<256x256xf32> to vector<256x256xbf16>
    %swap3A_100 = arith.constant 0 : index
    %swap3A_101 = arith.constant 128 : index
    %swap3A_102 = vector.load %arg8[%swap3A_100, %swap3A_101] : memref<1024x640xbf16, #tpu.memory_space<vmem>>, vector<256x256xbf16>
    tpu.vector_store %arg8[%swap3A_100, %swap3A_101], %convert_element_type3A_99 {strides = array<i32>} : memref<1024x640xbf16, #tpu.memory_space<vmem>>, vector<256x256xbf16>,
    %swap3A_103 = arith.constant 0 : index
    %swap3A_104 = arith.constant 0 : index
    %swap3A_105 = vector.load %arg9[%swap3A_103, %swap3A_104] : memref<1024x256xf32, #tpu.memory_space<vmem>>, vector<256x256xf32>
    tpu.vector_store %arg9[%swap3A_103, %swap3A_104], %add3A_96 {strides = array<i32>} : memref<1024x256xf32, #tpu.memory_space<vmem>>, vector<256x256xf32>,
    %get3A_106 = arith.constant 256 : index
    %get3A_107 = arith.constant 0 : index
    %get3A_108 = vector.load %arg8[%get3A_106, %get3A_107] : memref<1024x640xbf16, #tpu.memory_space<vmem>>, vector<256x384xbf16>
    %get3A_109 = arith.constant 256 : index
    %get3A_110 = arith.constant 0 : index
    %get3A_111 = vector.load %arg9[%get3A_109, %get3A_110] : memref<1024x256xf32, #tpu.memory_space<vmem>>, vector<256x256xf32>
    %dot_general3A_112 = arith.constant dense<0.000000e+00> : vector<256x1024xf32>
    %dot_general3A_113 = tpu.matmul %get3A_108, %get3A_38, %dot_general3A_112 {dimension_numbers = #tpu.dot_dimension_numbers<[1], [0], [0], [1], [0, 0, 1, 1], [], []>, transpose_lhs_hint = false} : vector<256x384xbf16>, vector<384x1024xbf16>, vector<256x1024xf32> -> vector<256x1024xf32>
    %slice3A_114 = vector.extract_strided_slice %dot_general3A_113 {offsets = [0, 0], sizes = [256, 256], strides = [1, 1]} : vector<256x1024xf32> to vector<256x256xf32>
    %slice3A_115 = vector.extract_strided_slice %get3A_45 {offsets = [0], sizes = [256], strides = [1]} : vector<1024xf32> to vector<256xf32>
    %broadcast_in_dim3A_116 = vector.shape_cast %slice3A_115 : vector<256xf32> to vector<1x256xf32>
    %add3A_117 = vector.broadcast %broadcast_in_dim3A_116 : vector<1x256xf32> to vector<256x256xf32>
    %add3A_118 = arith.addf %slice3A_114, %add3A_117 : vector<256x256xf32>
    %tanh3A_119 = math.tanh %add3A_118 : vector<256x256xf32>
    %mul3A_120 = arith.constant 5.000000e-01 : f32
    %mul3A_121 = vector.broadcast %mul3A_120 : f32 to vector<256x256xf32>
    %mul3A_122 = arith.mulf %mul3A_121, %tanh3A_119 : vector<256x256xf32>
    %add3A_123 = arith.constant 5.000000e-01 : f32
    %add3A_124 = vector.broadcast %add3A_123 : f32 to vector<256x256xf32>
    %add3A_125 = arith.addf %mul3A_122, %add3A_124 : vector<256x256xf32>
    %slice3A_126 = vector.extract_strided_slice %dot_general3A_113 {offsets = [0, 256], sizes = [256, 256], strides = [1, 1]} : vector<256x1024xf32> to vector<256x256xf32>
    %slice3A_127 = vector.extract_strided_slice %get3A_45 {offsets = [256], sizes = [256], strides = [1]} : vector<1024xf32> to vector<256xf32>
    %broadcast_in_dim3A_128 = vector.shape_cast %slice3A_127 : vector<256xf32> to vector<1x256xf32>
    %add3A_129 = vector.broadcast %broadcast_in_dim3A_128 : vector<1x256xf32> to vector<256x256xf32>
    %add3A_130 = arith.addf %slice3A_126, %add3A_129 : vector<256x256xf32>
    %tanh3A_131 = math.tanh %add3A_130 : vector<256x256xf32>
    %mul3A_132 = arith.constant 5.000000e-01 : f32
    %mul3A_133 = vector.broadcast %mul3A_132 : f32 to vector<256x256xf32>
    %mul3A_134 = arith.mulf %mul3A_133, %tanh3A_131 : vector<256x256xf32>
    %add3A_135 = arith.constant 5.000000e-01 : f32
    %add3A_136 = vector.broadcast %add3A_135 : f32 to vector<256x256xf32>
    %add3A_137 = arith.addf %mul3A_134, %add3A_136 : vector<256x256xf32>
    %slice3A_138 = vector.extract_strided_slice %dot_general3A_113 {offsets = [0, 512], sizes = [256, 256], strides = [1, 1]} : vector<256x1024xf32> to vector<256x256xf32>
    %slice3A_139 = vector.extract_strided_slice %get3A_45 {offsets = [512], sizes = [256], strides = [1]} : vector<1024xf32> to vector<256xf32>
    %broadcast_in_dim3A_140 = vector.shape_cast %slice3A_139 : vector<256xf32> to vector<1x256xf32>
    %add3A_141 = vector.broadcast %broadcast_in_dim3A_140 : vector<1x256xf32> to vector<256x256xf32>
    %add3A_142 = arith.addf %slice3A_138, %add3A_141 : vector<256x256xf32>
    %tanh3A_143 = math.tanh %add3A_142 : vector<256x256xf32>
    %slice3A_144 = vector.extract_strided_slice %dot_general3A_113 {offsets = [0, 768], sizes = [256, 256], strides = [1, 1]} : vector<256x1024xf32> to vector<256x256xf32>
    %slice3A_145 = vector.extract_strided_slice %get3A_45 {offsets = [768], sizes = [256], strides = [1]} : vector<1024xf32> to vector<256xf32>
    %broadcast_in_dim3A_146 = vector.shape_cast %slice3A_145 : vector<256xf32> to vector<1x256xf32>
    %add3A_147 = vector.broadcast %broadcast_in_dim3A_146 : vector<1x256xf32> to vector<256x256xf32>
    %add3A_148 = arith.addf %slice3A_144, %add3A_147 : vector<256x256xf32>
    %tanh3A_149 = math.tanh %add3A_148 : vector<256x256xf32>
    %mul3A_150 = arith.constant 5.000000e-01 : f32
    %mul3A_151 = vector.broadcast %mul3A_150 : f32 to vector<256x256xf32>
    %mul3A_152 = arith.mulf %mul3A_151, %tanh3A_149 : vector<256x256xf32>
    %add3A_153 = arith.constant 5.000000e-01 : f32
    %add3A_154 = vector.broadcast %add3A_153 : f32 to vector<256x256xf32>
    %add3A_155 = arith.addf %mul3A_152, %add3A_154 : vector<256x256xf32>
    %mul3A_156 = arith.mulf %add3A_137, %get3A_111 : vector<256x256xf32>
    %mul3A_157 = arith.mulf %add3A_125, %tanh3A_143 : vector<256x256xf32>
    %add3A_158 = arith.addf %mul3A_156, %mul3A_157 : vector<256x256xf32>
    %tanh3A_159 = math.tanh %add3A_158 : vector<256x256xf32>
    %mul3A_160 = arith.mulf %add3A_155, %tanh3A_159 : vector<256x256xf32>
    %convert_element_type3A_161 = arith.truncf %mul3A_160 : vector<256x256xf32> to vector<256x256xbf16>
    %swap3A_162 = arith.constant 256 : index
    %swap3A_163 = arith.constant 128 : index
    %swap3A_164 = vector.load %arg8[%swap3A_162, %swap3A_163] : memref<1024x640xbf16, #tpu.memory_space<vmem>>, vector<256x256xbf16>
    tpu.vector_store %arg8[%swap3A_162, %swap3A_163], %convert_element_type3A_161 {strides = array<i32>} : memref<1024x640xbf16, #tpu.memory_space<vmem>>, vector<256x256xbf16>,
    %swap3A_165 = arith.constant 256 : index
    %swap3A_166 = arith.constant 0 : index
    %swap3A_167 = vector.load %arg9[%swap3A_165, %swap3A_166] : memref<1024x256xf32, #tpu.memory_space<vmem>>, vector<256x256xf32>
    tpu.vector_store %arg9[%swap3A_165, %swap3A_166], %add3A_158 {strides = array<i32>} : memref<1024x256xf32, #tpu.memory_space<vmem>>, vector<256x256xf32>,
    %get3A_168 = arith.constant 512 : index
    %get3A_169 = arith.constant 0 : index
    %get3A_170 = vector.load %arg8[%get3A_168, %get3A_169] : memref<1024x640xbf16, #tpu.memory_space<vmem>>, vector<256x384xbf16>
    %get3A_171 = arith.constant 512 : index
    %get3A_172 = arith.constant 0 : index
    %get3A_173 = vector.load %arg9[%get3A_171, %get3A_172] : memref<1024x256xf32, #tpu.memory_space<vmem>>, vector<256x256xf32>
    %dot_general3A_174 = arith.constant dense<0.000000e+00> : vector<256x1024xf32>
    %dot_general3A_175 = tpu.matmul %get3A_170, %get3A_38, %dot_general3A_174 {dimension_numbers = #tpu.dot_dimension_numbers<[1], [0], [0], [1], [0, 0, 1, 1], [], []>, transpose_lhs_hint = false} : vector<256x384xbf16>, vector<384x1024xbf16>, vector<256x1024xf32> -> vector<256x1024xf32>
    %slice3A_176 = vector.extract_strided_slice %dot_general3A_175 {offsets = [0, 0], sizes = [256, 256], strides = [1, 1]} : vector<256x1024xf32> to vector<256x256xf32>
    %slice3A_177 = vector.extract_strided_slice %get3A_45 {offsets = [0], sizes = [256], strides = [1]} : vector<1024xf32> to vector<256xf32>
    %broadcast_in_dim3A_178 = vector.shape_cast %slice3A_177 : vector<256xf32> to vector<1x256xf32>
    %add3A_179 = vector.broadcast %broadcast_in_dim3A_178 : vector<1x256xf32> to vector<256x256xf32>
    %add3A_180 = arith.addf %slice3A_176, %add3A_179 : vector<256x256xf32>
    %tanh3A_181 = math.tanh %add3A_180 : vector<256x256xf32>
    %mul3A_182 = arith.constant 5.000000e-01 : f32
    %mul3A_183 = vector.broadcast %mul3A_182 : f32 to vector<256x256xf32>
    %mul3A_184 = arith.mulf %mul3A_183, %tanh3A_181 : vector<256x256xf32>
    %add3A_185 = arith.constant 5.000000e-01 : f32
    %add3A_186 = vector.broadcast %add3A_185 : f32 to vector<256x256xf32>
    %add3A_187 = arith.addf %mul3A_184, %add3A_186 : vector<256x256xf32>
    %slice3A_188 = vector.extract_strided_slice %dot_general3A_175 {offsets = [0, 256], sizes = [256, 256], strides = [1, 1]} : vector<256x1024xf32> to vector<256x256xf32>
    %slice3A_189 = vector.extract_strided_slice %get3A_45 {offsets = [256], sizes = [256], strides = [1]} : vector<1024xf32> to vector<256xf32>
    %broadcast_in_dim3A_190 = vector.shape_cast %slice3A_189 : vector<256xf32> to vector<1x256xf32>
    %add3A_191 = vector.broadcast %broadcast_in_dim3A_190 : vector<1x256xf32> to vector<256x256xf32>
    %add3A_192 = arith.addf %slice3A_188, %add3A_191 : vector<256x256xf32>
    %tanh3A_193 = math.tanh %add3A_192 : vector<256x256xf32>
    %mul3A_194 = arith.constant 5.000000e-01 : f32
    %mul3A_195 = vector.broadcast %mul3A_194 : f32 to vector<256x256xf32>
    %mul3A_196 = arith.mulf %mul3A_195, %tanh3A_193 : vector<256x256xf32>
    %add3A_197 = arith.constant 5.000000e-01 : f32
    %add3A_198 = vector.broadcast %add3A_197 : f32 to vector<256x256xf32>
    %add3A_199 = arith.addf %mul3A_196, %add3A_198 : vector<256x256xf32>
    %slice3A_200 = vector.extract_strided_slice %dot_general3A_175 {offsets = [0, 512], sizes = [256, 256], strides = [1, 1]} : vector<256x1024xf32> to vector<256x256xf32>
    %slice3A_201 = vector.extract_strided_slice %get3A_45 {offsets = [512], sizes = [256], strides = [1]} : vector<1024xf32> to vector<256xf32>
    %broadcast_in_dim3A_202 = vector.shape_cast %slice3A_201 : vector<256xf32> to vector<1x256xf32>
    %add3A_203 = vector.broadcast %broadcast_in_dim3A_202 : vector<1x256xf32> to vector<256x256xf32>
    %add3A_204 = arith.addf %slice3A_200, %add3A_203 : vector<256x256xf32>
    %tanh3A_205 = math.tanh %add3A_204 : vector<256x256xf32>
    %slice3A_206 = vector.extract_strided_slice %dot_general3A_175 {offsets = [0, 768], sizes = [256, 256], strides = [1, 1]} : vector<256x1024xf32> to vector<256x256xf32>
    %slice3A_207 = vector.extract_strided_slice %get3A_45 {offsets = [768], sizes = [256], strides = [1]} : vector<1024xf32> to vector<256xf32>
    %broadcast_in_dim3A_208 = vector.shape_cast %slice3A_207 : vector<256xf32> to vector<1x256xf32>
    %add3A_209 = vector.broadcast %broadcast_in_dim3A_208 : vector<1x256xf32> to vector<256x256xf32>
    %add3A_210 = arith.addf %slice3A_206, %add3A_209 : vector<256x256xf32>
    %tanh3A_211 = math.tanh %add3A_210 : vector<256x256xf32>
    %mul3A_212 = arith.constant 5.000000e-01 : f32
    %mul3A_213 = vector.broadcast %mul3A_212 : f32 to vector<256x256xf32>
    %mul3A_214 = arith.mulf %mul3A_213, %tanh3A_211 : vector<256x256xf32>
    %add3A_215 = arith.constant 5.000000e-01 : f32
    %add3A_216 = vector.broadcast %add3A_215 : f32 to vector<256x256xf32>
    %add3A_217 = arith.addf %mul3A_214, %add3A_216 : vector<256x256xf32>
    %mul3A_218 = arith.mulf %add3A_199, %get3A_173 : vector<256x256xf32>
    %mul3A_219 = arith.mulf %add3A_187, %tanh3A_205 : vector<256x256xf32>
    %add3A_220 = arith.addf %mul3A_218, %mul3A_219 : vector<256x256xf32>
    %tanh3A_221 = math.tanh %add3A_220 : vector<256x256xf32>
    %mul3A_222 = arith.mulf %add3A_217, %tanh3A_221 : vector<256x256xf32>
    %convert_element_type3A_223 = arith.truncf %mul3A_222 : vector<256x256xf32> to vector<256x256xbf16>
    %swap3A_224 = arith.constant 512 : index
    %swap3A_225 = arith.constant 128 : index
    %swap3A_226 = vector.load %arg8[%swap3A_224, %swap3A_225] : memref<1024x640xbf16, #tpu.memory_space<vmem>>, vector<256x256xbf16>
    tpu.vector_store %arg8[%swap3A_224, %swap3A_225], %convert_element_type3A_223 {strides = array<i32>} : memref<1024x640xbf16, #tpu.memory_space<vmem>>, vector<256x256xbf16>,
    %swap3A_227 = arith.constant 512 : index
    %swap3A_228 = arith.constant 0 : index
    %swap3A_229 = vector.load %arg9[%swap3A_227, %swap3A_228] : memref<1024x256xf32, #tpu.memory_space<vmem>>, vector<256x256xf32>
    tpu.vector_store %arg9[%swap3A_227, %swap3A_228], %add3A_220 {strides = array<i32>} : memref<1024x256xf32, #tpu.memory_space<vmem>>, vector<256x256xf32>,
    %get3A_230 = arith.constant 768 : index
    %get3A_231 = arith.constant 0 : index
    %get3A_232 = vector.load %arg8[%get3A_230, %get3A_231] : memref<1024x640xbf16, #tpu.memory_space<vmem>>, vector<256x384xbf16>
    %get3A_233 = arith.constant 768 : index
    %get3A_234 = arith.constant 0 : index
    %get3A_235 = vector.load %arg9[%get3A_233, %get3A_234] : memref<1024x256xf32, #tpu.memory_space<vmem>>, vector<256x256xf32>
    %dot_general3A_236 = arith.constant dense<0.000000e+00> : vector<256x1024xf32>
    %dot_general3A_237 = tpu.matmul %get3A_232, %get3A_38, %dot_general3A_236 {dimension_numbers = #tpu.dot_dimension_numbers<[1], [0], [0], [1], [0, 0, 1, 1], [], []>, transpose_lhs_hint = false} : vector<256x384xbf16>, vector<384x1024xbf16>, vector<256x1024xf32> -> vector<256x1024xf32>
    %slice3A_238 = vector.extract_strided_slice %dot_general3A_237 {offsets = [0, 0], sizes = [256, 256], strides = [1, 1]} : vector<256x1024xf32> to vector<256x256xf32>
    %slice3A_239 = vector.extract_strided_slice %get3A_45 {offsets = [0], sizes = [256], strides = [1]} : vector<1024xf32> to vector<256xf32>
    %broadcast_in_dim3A_240 = vector.shape_cast %slice3A_239 : vector<256xf32> to vector<1x256xf32>
    %add3A_241 = vector.broadcast %broadcast_in_dim3A_240 : vector<1x256xf32> to vector<256x256xf32>
    %add3A_242 = arith.addf %slice3A_238, %add3A_241 : vector<256x256xf32>
    %tanh3A_243 = math.tanh %add3A_242 : vector<256x256xf32>
    %mul3A_244 = arith.constant 5.000000e-01 : f32
    %mul3A_245 = vector.broadcast %mul3A_244 : f32 to vector<256x256xf32>
    %mul3A_246 = arith.mulf %mul3A_245, %tanh3A_243 : vector<256x256xf32>
    %add3A_247 = arith.constant 5.000000e-01 : f32
    %add3A_248 = vector.broadcast %add3A_247 : f32 to vector<256x256xf32>
    %add3A_249 = arith.addf %mul3A_246, %add3A_248 : vector<256x256xf32>
    %slice3A_250 = vector.extract_strided_slice %dot_general3A_237 {offsets = [0, 256], sizes = [256, 256], strides = [1, 1]} : vector<256x1024xf32> to vector<256x256xf32>
    %slice3A_251 = vector.extract_strided_slice %get3A_45 {offsets = [256], sizes = [256], strides = [1]} : vector<1024xf32> to vector<256xf32>
    %broadcast_in_dim3A_252 = vector.shape_cast %slice3A_251 : vector<256xf32> to vector<1x256xf32>
    %add3A_253 = vector.broadcast %broadcast_in_dim3A_252 : vector<1x256xf32> to vector<256x256xf32>
    %add3A_254 = arith.addf %slice3A_250, %add3A_253 : vector<256x256xf32>
    %tanh3A_255 = math.tanh %add3A_254 : vector<256x256xf32>
    %mul3A_256 = arith.constant 5.000000e-01 : f32
    %mul3A_257 = vector.broadcast %mul3A_256 : f32 to vector<256x256xf32>
    %mul3A_258 = arith.mulf %mul3A_257, %tanh3A_255 : vector<256x256xf32>
    %add3A_259 = arith.constant 5.000000e-01 : f32
    %add3A_260 = vector.broadcast %add3A_259 : f32 to vector<256x256xf32>
    %add3A_261 = arith.addf %mul3A_258, %add3A_260 : vector<256x256xf32>
    %slice3A_262 = vector.extract_strided_slice %dot_general3A_237 {offsets = [0, 512], sizes = [256, 256], strides = [1, 1]} : vector<256x1024xf32> to vector<256x256xf32>
    %slice3A_263 = vector.extract_strided_slice %get3A_45 {offsets = [512], sizes = [256], strides = [1]} : vector<1024xf32> to vector<256xf32>
    %broadcast_in_dim3A_264 = vector.shape_cast %slice3A_263 : vector<256xf32> to vector<1x256xf32>
    %add3A_265 = vector.broadcast %broadcast_in_dim3A_264 : vector<1x256xf32> to vector<256x256xf32>
    %add3A_266 = arith.addf %slice3A_262, %add3A_265 : vector<256x256xf32>
    %tanh3A_267 = math.tanh %add3A_266 : vector<256x256xf32>
    %slice3A_268 = vector.extract_strided_slice %dot_general3A_237 {offsets = [0, 768], sizes = [256, 256], strides = [1, 1]} : vector<256x1024xf32> to vector<256x256xf32>
    %slice3A_269 = vector.extract_strided_slice %get3A_45 {offsets = [768], sizes = [256], strides = [1]} : vector<1024xf32> to vector<256xf32>
    %broadcast_in_dim3A_270 = vector.shape_cast %slice3A_269 : vector<256xf32> to vector<1x256xf32>
    %add3A_271 = vector.broadcast %broadcast_in_dim3A_270 : vector<1x256xf32> to vector<256x256xf32>
    %add3A_272 = arith.addf %slice3A_268, %add3A_271 : vector<256x256xf32>
    %tanh3A_273 = math.tanh %add3A_272 : vector<256x256xf32>
    %mul3A_274 = arith.constant 5.000000e-01 : f32
    %mul3A_275 = vector.broadcast %mul3A_274 : f32 to vector<256x256xf32>
    %mul3A_276 = arith.mulf %mul3A_275, %tanh3A_273 : vector<256x256xf32>
    %add3A_277 = arith.constant 5.000000e-01 : f32
    %add3A_278 = vector.broadcast %add3A_277 : f32 to vector<256x256xf32>
    %add3A_279 = arith.addf %mul3A_276, %add3A_278 : vector<256x256xf32>
    %mul3A_280 = arith.mulf %add3A_261, %get3A_235 : vector<256x256xf32>
    %mul3A_281 = arith.mulf %add3A_249, %tanh3A_267 : vector<256x256xf32>
    %add3A_282 = arith.addf %mul3A_280, %mul3A_281 : vector<256x256xf32>
    %tanh3A_283 = math.tanh %add3A_282 : vector<256x256xf32>
    %mul3A_284 = arith.mulf %add3A_279, %tanh3A_283 : vector<256x256xf32>
    %convert_element_type3A_285 = arith.truncf %mul3A_284 : vector<256x256xf32> to vector<256x256xbf16>
    %swap3A_286 = arith.constant 768 : index
    %swap3A_287 = arith.constant 128 : index
    %swap3A_288 = vector.load %arg8[%swap3A_286, %swap3A_287] : memref<1024x640xbf16, #tpu.memory_space<vmem>>, vector<256x256xbf16>
    tpu.vector_store %arg8[%swap3A_286, %swap3A_287], %convert_element_type3A_285 {strides = array<i32>} : memref<1024x640xbf16, #tpu.memory_space<vmem>>, vector<256x256xbf16>,
    %swap3A_289 = arith.constant 768 : index
    %swap3A_290 = arith.constant 0 : index
    %swap3A_291 = vector.load %arg9[%swap3A_289, %swap3A_290] : memref<1024x256xf32, #tpu.memory_space<vmem>>, vector<256x256xf32>
    tpu.vector_store %arg9[%swap3A_289, %swap3A_290], %add3A_282 {strides = array<i32>} : memref<1024x256xf32, #tpu.memory_space<vmem>>, vector<256x256xf32>,
    %get3A_292 = arith.constant 0 : index
    %get3A_293 = arith.constant 128 : index
    %get3A_294 = vector.load %arg8[%get3A_292, %get3A_293] : memref<1024x640xbf16, #tpu.memory_space<vmem>>, vector<256x512xbf16>
    %get3A_295 = arith.constant 0 : index
    %get3A_296 = arith.constant 0 : index
    %get3A_297 = vector.load %arg10[%get3A_295, %get3A_296] : memref<1024x256xf32, #tpu.memory_space<vmem>>, vector<256x256xf32>
    %dot_general3A_298 = arith.constant dense<0.000000e+00> : vector<256x1024xf32>
    %dot_general3A_299 = tpu.matmul %get3A_294, %get3A_41, %dot_general3A_298 {dimension_numbers = #tpu.dot_dimension_numbers<[1], [0], [0], [1], [0, 0, 1, 1], [], []>, transpose_lhs_hint = false} : vector<256x512xbf16>, vector<512x1024xbf16>, vector<256x1024xf32> -> vector<256x1024xf32>
    %slice3A_300 = vector.extract_strided_slice %dot_general3A_299 {offsets = [0, 0], sizes = [256, 256], strides = [1, 1]} : vector<256x1024xf32> to vector<256x256xf32>
    %slice3A_301 = vector.extract_strided_slice %get3A_49 {offsets = [0], sizes = [256], strides = [1]} : vector<1024xf32> to vector<256xf32>
    %broadcast_in_dim3A_302 = vector.shape_cast %slice3A_301 : vector<256xf32> to vector<1x256xf32>
    %add3A_303 = vector.broadcast %broadcast_in_dim3A_302 : vector<1x256xf32> to vector<256x256xf32>
    %add3A_304 = arith.addf %slice3A_300, %add3A_303 : vector<256x256xf32>
    %tanh3A_305 = math.tanh %add3A_304 : vector<256x256xf32>
    %mul3A_306 = arith.constant 5.000000e-01 : f32
    %mul3A_307 = vector.broadcast %mul3A_306 : f32 to vector<256x256xf32>
    %mul3A_308 = arith.mulf %mul3A_307, %tanh3A_305 : vector<256x256xf32>
    %add3A_309 = arith.constant 5.000000e-01 : f32
    %add3A_310 = vector.broadcast %add3A_309 : f32 to vector<256x256xf32>
    %add3A_311 = arith.addf %mul3A_308, %add3A_310 : vector<256x256xf32>
    %slice3A_312 = vector.extract_strided_slice %dot_general3A_299 {offsets = [0, 256], sizes = [256, 256], strides = [1, 1]} : vector<256x1024xf32> to vector<256x256xf32>
    %slice3A_313 = vector.extract_strided_slice %get3A_49 {offsets = [256], sizes = [256], strides = [1]} : vector<1024xf32> to vector<256xf32>
    %broadcast_in_dim3A_314 = vector.shape_cast %slice3A_313 : vector<256xf32> to vector<1x256xf32>
    %add3A_315 = vector.broadcast %broadcast_in_dim3A_314 : vector<1x256xf32> to vector<256x256xf32>
    %add3A_316 = arith.addf %slice3A_312, %add3A_315 : vector<256x256xf32>
    %tanh3A_317 = math.tanh %add3A_316 : vector<256x256xf32>
    %mul3A_318 = arith.constant 5.000000e-01 : f32
    %mul3A_319 = vector.broadcast %mul3A_318 : f32 to vector<256x256xf32>
    %mul3A_320 = arith.mulf %mul3A_319, %tanh3A_317 : vector<256x256xf32>
    %add3A_321 = arith.constant 5.000000e-01 : f32
    %add3A_322 = vector.broadcast %add3A_321 : f32 to vector<256x256xf32>
    %add3A_323 = arith.addf %mul3A_320, %add3A_322 : vector<256x256xf32>
    %slice3A_324 = vector.extract_strided_slice %dot_general3A_299 {offsets = [0, 512], sizes = [256, 256], strides = [1, 1]} : vector<256x1024xf32> to vector<256x256xf32>
    %slice3A_325 = vector.extract_strided_slice %get3A_49 {offsets = [512], sizes = [256], strides = [1]} : vector<1024xf32> to vector<256xf32>
    %broadcast_in_dim3A_326 = vector.shape_cast %slice3A_325 : vector<256xf32> to vector<1x256xf32>
    %add3A_327 = vector.broadcast %broadcast_in_dim3A_326 : vector<1x256xf32> to vector<256x256xf32>
    %add3A_328 = arith.addf %slice3A_324, %add3A_327 : vector<256x256xf32>
    %tanh3A_329 = math.tanh %add3A_328 : vector<256x256xf32>
    %slice3A_330 = vector.extract_strided_slice %dot_general3A_299 {offsets = [0, 768], sizes = [256, 256], strides = [1, 1]} : vector<256x1024xf32> to vector<256x256xf32>
    %slice3A_331 = vector.extract_strided_slice %get3A_49 {offsets = [768], sizes = [256], strides = [1]} : vector<1024xf32> to vector<256xf32>
    %broadcast_in_dim3A_332 = vector.shape_cast %slice3A_331 : vector<256xf32> to vector<1x256xf32>
    %add3A_333 = vector.broadcast %broadcast_in_dim3A_332 : vector<1x256xf32> to vector<256x256xf32>
    %add3A_334 = arith.addf %slice3A_330, %add3A_333 : vector<256x256xf32>
    %tanh3A_335 = math.tanh %add3A_334 : vector<256x256xf32>
    %mul3A_336 = arith.constant 5.000000e-01 : f32
    %mul3A_337 = vector.broadcast %mul3A_336 : f32 to vector<256x256xf32>
    %mul3A_338 = arith.mulf %mul3A_337, %tanh3A_335 : vector<256x256xf32>
    %add3A_339 = arith.constant 5.000000e-01 : f32
    %add3A_340 = vector.broadcast %add3A_339 : f32 to vector<256x256xf32>
    %add3A_341 = arith.addf %mul3A_338, %add3A_340 : vector<256x256xf32>
    %mul3A_342 = arith.mulf %add3A_323, %get3A_297 : vector<256x256xf32>
    %mul3A_343 = arith.mulf %add3A_311, %tanh3A_329 : vector<256x256xf32>
    %add3A_344 = arith.addf %mul3A_342, %mul3A_343 : vector<256x256xf32>
    %tanh3A_345 = math.tanh %add3A_344 : vector<256x256xf32>
    %mul3A_346 = arith.mulf %add3A_341, %tanh3A_345 : vector<256x256xf32>
    %convert_element_type3A_347 = arith.truncf %mul3A_346 : vector<256x256xf32> to vector<256x256xbf16>
    %swap3A_348 = arith.constant 0 : index
    %swap3A_349 = arith.constant 384 : index
    %swap3A_350 = vector.load %arg8[%swap3A_348, %swap3A_349] : memref<1024x640xbf16, #tpu.memory_space<vmem>>, vector<256x256xbf16>
    tpu.vector_store %arg8[%swap3A_348, %swap3A_349], %convert_element_type3A_347 {strides = array<i32>} : memref<1024x640xbf16, #tpu.memory_space<vmem>>, vector<256x256xbf16>,
    %swap3A_351 = arith.constant 0 : index
    %swap3A_352 = arith.constant 0 : index
    %swap3A_353 = vector.load %arg10[%swap3A_351, %swap3A_352] : memref<1024x256xf32, #tpu.memory_space<vmem>>, vector<256x256xf32>
    tpu.vector_store %arg10[%swap3A_351, %swap3A_352], %add3A_344 {strides = array<i32>} : memref<1024x256xf32, #tpu.memory_space<vmem>>, vector<256x256xf32>,
    %get3A_354 = arith.constant 256 : index
    %get3A_355 = arith.constant 128 : index
    %get3A_356 = vector.load %arg8[%get3A_354, %get3A_355] : memref<1024x640xbf16, #tpu.memory_space<vmem>>, vector<256x512xbf16>
    %get3A_357 = arith.constant 256 : index
    %get3A_358 = arith.constant 0 : index
    %get3A_359 = vector.load %arg10[%get3A_357, %get3A_358] : memref<1024x256xf32, #tpu.memory_space<vmem>>, vector<256x256xf32>
    %dot_general3A_360 = arith.constant dense<0.000000e+00> : vector<256x1024xf32>
    %dot_general3A_361 = tpu.matmul %get3A_356, %get3A_41, %dot_general3A_360 {dimension_numbers = #tpu.dot_dimension_numbers<[1], [0], [0], [1], [0, 0, 1, 1], [], []>, transpose_lhs_hint = false} : vector<256x512xbf16>, vector<512x1024xbf16>, vector<256x1024xf32> -> vector<256x1024xf32>
    %slice3A_362 = vector.extract_strided_slice %dot_general3A_361 {offsets = [0, 0], sizes = [256, 256], strides = [1, 1]} : vector<256x1024xf32> to vector<256x256xf32>
    %slice3A_363 = vector.extract_strided_slice %get3A_49 {offsets = [0], sizes = [256], strides = [1]} : vector<1024xf32> to vector<256xf32>
    %broadcast_in_dim3A_364 = vector.shape_cast %slice3A_363 : vector<256xf32> to vector<1x256xf32>
    %add3A_365 = vector.broadcast %broadcast_in_dim3A_364 : vector<1x256xf32> to vector<256x256xf32>
    %add3A_366 = arith.addf %slice3A_362, %add3A_365 : vector<256x256xf32>
    %tanh3A_367 = math.tanh %add3A_366 : vector<256x256xf32>
    %mul3A_368 = arith.constant 5.000000e-01 : f32
    %mul3A_369 = vector.broadcast %mul3A_368 : f32 to vector<256x256xf32>
    %mul3A_370 = arith.mulf %mul3A_369, %tanh3A_367 : vector<256x256xf32>
    %add3A_371 = arith.constant 5.000000e-01 : f32
    %add3A_372 = vector.broadcast %add3A_371 : f32 to vector<256x256xf32>
    %add3A_373 = arith.addf %mul3A_370, %add3A_372 : vector<256x256xf32>
    %slice3A_374 = vector.extract_strided_slice %dot_general3A_361 {offsets = [0, 256], sizes = [256, 256], strides = [1, 1]} : vector<256x1024xf32> to vector<256x256xf32>
    %slice3A_375 = vector.extract_strided_slice %get3A_49 {offsets = [256], sizes = [256], strides = [1]} : vector<1024xf32> to vector<256xf32>
    %broadcast_in_dim3A_376 = vector.shape_cast %slice3A_375 : vector<256xf32> to vector<1x256xf32>
    %add3A_377 = vector.broadcast %broadcast_in_dim3A_376 : vector<1x256xf32> to vector<256x256xf32>
    %add3A_378 = arith.addf %slice3A_374, %add3A_377 : vector<256x256xf32>
    %tanh3A_379 = math.tanh %add3A_378 : vector<256x256xf32>
    %mul3A_380 = arith.constant 5.000000e-01 : f32
    %mul3A_381 = vector.broadcast %mul3A_380 : f32 to vector<256x256xf32>
    %mul3A_382 = arith.mulf %mul3A_381, %tanh3A_379 : vector<256x256xf32>
    %add3A_383 = arith.constant 5.000000e-01 : f32
    %add3A_384 = vector.broadcast %add3A_383 : f32 to vector<256x256xf32>
    %add3A_385 = arith.addf %mul3A_382, %add3A_384 : vector<256x256xf32>
    %slice3A_386 = vector.extract_strided_slice %dot_general3A_361 {offsets = [0, 512], sizes = [256, 256], strides = [1, 1]} : vector<256x1024xf32> to vector<256x256xf32>
    %slice3A_387 = vector.extract_strided_slice %get3A_49 {offsets = [512], sizes = [256], strides = [1]} : vector<1024xf32> to vector<256xf32>
    %broadcast_in_dim3A_388 = vector.shape_cast %slice3A_387 : vector<256xf32> to vector<1x256xf32>
    %add3A_389 = vector.broadcast %broadcast_in_dim3A_388 : vector<1x256xf32> to vector<256x256xf32>
    %add3A_390 = arith.addf %slice3A_386, %add3A_389 : vector<256x256xf32>
    %tanh3A_391 = math.tanh %add3A_390 : vector<256x256xf32>
    %slice3A_392 = vector.extract_strided_slice %dot_general3A_361 {offsets = [0, 768], sizes = [256, 256], strides = [1, 1]} : vector<256x1024xf32> to vector<256x256xf32>
    %slice3A_393 = vector.extract_strided_slice %get3A_49 {offsets = [768], sizes = [256], strides = [1]} : vector<1024xf32> to vector<256xf32>
    %broadcast_in_dim3A_394 = vector.shape_cast %slice3A_393 : vector<256xf32> to vector<1x256xf32>
    %add3A_395 = vector.broadcast %broadcast_in_dim3A_394 : vector<1x256xf32> to vector<256x256xf32>
    %add3A_396 = arith.addf %slice3A_392, %add3A_395 : vector<256x256xf32>
    %tanh3A_397 = math.tanh %add3A_396 : vector<256x256xf32>
    %mul3A_398 = arith.constant 5.000000e-01 : f32
    %mul3A_399 = vector.broadcast %mul3A_398 : f32 to vector<256x256xf32>
    %mul3A_400 = arith.mulf %mul3A_399, %tanh3A_397 : vector<256x256xf32>
    %add3A_401 = arith.constant 5.000000e-01 : f32
    %add3A_402 = vector.broadcast %add3A_401 : f32 to vector<256x256xf32>
    %add3A_403 = arith.addf %mul3A_400, %add3A_402 : vector<256x256xf32>
    %mul3A_404 = arith.mulf %add3A_385, %get3A_359 : vector<256x256xf32>
    %mul3A_405 = arith.mulf %add3A_373, %tanh3A_391 : vector<256x256xf32>
    %add3A_406 = arith.addf %mul3A_404, %mul3A_405 : vector<256x256xf32>
    %tanh3A_407 = math.tanh %add3A_406 : vector<256x256xf32>
    %mul3A_408 = arith.mulf %add3A_403, %tanh3A_407 : vector<256x256xf32>
    %convert_element_type3A_409 = arith.truncf %mul3A_408 : vector<256x256xf32> to vector<256x256xbf16>
    %swap3A_410 = arith.constant 256 : index
    %swap3A_411 = arith.constant 384 : index
    %swap3A_412 = vector.load %arg8[%swap3A_410, %swap3A_411] : memref<1024x640xbf16, #tpu.memory_space<vmem>>, vector<256x256xbf16>
    tpu.vector_store %arg8[%swap3A_410, %swap3A_411], %convert_element_type3A_409 {strides = array<i32>} : memref<1024x640xbf16, #tpu.memory_space<vmem>>, vector<256x256xbf16>,
    %swap3A_413 = arith.constant 256 : index
    %swap3A_414 = arith.constant 0 : index
    %swap3A_415 = vector.load %arg10[%swap3A_413, %swap3A_414] : memref<1024x256xf32, #tpu.memory_space<vmem>>, vector<256x256xf32>
    tpu.vector_store %arg10[%swap3A_413, %swap3A_414], %add3A_406 {strides = array<i32>} : memref<1024x256xf32, #tpu.memory_space<vmem>>, vector<256x256xf32>,
    %get3A_416 = arith.constant 512 : index
    %get3A_417 = arith.constant 128 : index
    %get3A_418 = vector.load %arg8[%get3A_416, %get3A_417] : memref<1024x640xbf16, #tpu.memory_space<vmem>>, vector<256x512xbf16>
    %get3A_419 = arith.constant 512 : index
    %get3A_420 = arith.constant 0 : index
    %get3A_421 = vector.load %arg10[%get3A_419, %get3A_420] : memref<1024x256xf32, #tpu.memory_space<vmem>>, vector<256x256xf32>
    %dot_general3A_422 = arith.constant dense<0.000000e+00> : vector<256x1024xf32>
    %dot_general3A_423 = tpu.matmul %get3A_418, %get3A_41, %dot_general3A_422 {dimension_numbers = #tpu.dot_dimension_numbers<[1], [0], [0], [1], [0, 0, 1, 1], [], []>, transpose_lhs_hint = false} : vector<256x512xbf16>, vector<512x1024xbf16>, vector<256x1024xf32> -> vector<256x1024xf32>
    %slice3A_424 = vector.extract_strided_slice %dot_general3A_423 {offsets = [0, 0], sizes = [256, 256], strides = [1, 1]} : vector<256x1024xf32> to vector<256x256xf32>
    %slice3A_425 = vector.extract_strided_slice %get3A_49 {offsets = [0], sizes = [256], strides = [1]} : vector<1024xf32> to vector<256xf32>
    %broadcast_in_dim3A_426 = vector.shape_cast %slice3A_425 : vector<256xf32> to vector<1x256xf32>
    %add3A_427 = vector.broadcast %broadcast_in_dim3A_426 : vector<1x256xf32> to vector<256x256xf32>
    %add3A_428 = arith.addf %slice3A_424, %add3A_427 : vector<256x256xf32>
    %tanh3A_429 = math.tanh %add3A_428 : vector<256x256xf32>
    %mul3A_430 = arith.constant 5.000000e-01 : f32
    %mul3A_431 = vector.broadcast %mul3A_430 : f32 to vector<256x256xf32>
    %mul3A_432 = arith.mulf %mul3A_431, %tanh3A_429 : vector<256x256xf32>
    %add3A_433 = arith.constant 5.000000e-01 : f32
    %add3A_434 = vector.broadcast %add3A_433 : f32 to vector<256x256xf32>
    %add3A_435 = arith.addf %mul3A_432, %add3A_434 : vector<256x256xf32>
    %slice3A_436 = vector.extract_strided_slice %dot_general3A_423 {offsets = [0, 256], sizes = [256, 256], strides = [1, 1]} : vector<256x1024xf32> to vector<256x256xf32>
    %slice3A_437 = vector.extract_strided_slice %get3A_49 {offsets = [256], sizes = [256], strides = [1]} : vector<1024xf32> to vector<256xf32>
    %broadcast_in_dim3A_438 = vector.shape_cast %slice3A_437 : vector<256xf32> to vector<1x256xf32>
    %add3A_439 = vector.broadcast %broadcast_in_dim3A_438 : vector<1x256xf32> to vector<256x256xf32>
    %add3A_440 = arith.addf %slice3A_436, %add3A_439 : vector<256x256xf32>
    %tanh3A_441 = math.tanh %add3A_440 : vector<256x256xf32>
    %mul3A_442 = arith.constant 5.000000e-01 : f32
    %mul3A_443 = vector.broadcast %mul3A_442 : f32 to vector<256x256xf32>
    %mul3A_444 = arith.mulf %mul3A_443, %tanh3A_441 : vector<256x256xf32>
    %add3A_445 = arith.constant 5.000000e-01 : f32
    %add3A_446 = vector.broadcast %add3A_445 : f32 to vector<256x256xf32>
    %add3A_447 = arith.addf %mul3A_444, %add3A_446 : vector<256x256xf32>
    %slice3A_448 = vector.extract_strided_slice %dot_general3A_423 {offsets = [0, 512], sizes = [256, 256], strides = [1, 1]} : vector<256x1024xf32> to vector<256x256xf32>
    %slice3A_449 = vector.extract_strided_slice %get3A_49 {offsets = [512], sizes = [256], strides = [1]} : vector<1024xf32> to vector<256xf32>
    %broadcast_in_dim3A_450 = vector.shape_cast %slice3A_449 : vector<256xf32> to vector<1x256xf32>
    %add3A_451 = vector.broadcast %broadcast_in_dim3A_450 : vector<1x256xf32> to vector<256x256xf32>
    %add3A_452 = arith.addf %slice3A_448, %add3A_451 : vector<256x256xf32>
    %tanh3A_453 = math.tanh %add3A_452 : vector<256x256xf32>
    %slice3A_454 = vector.extract_strided_slice %dot_general3A_423 {offsets = [0, 768], sizes = [256, 256], strides = [1, 1]} : vector<256x1024xf32> to vector<256x256xf32>
    %slice3A_455 = vector.extract_strided_slice %get3A_49 {offsets = [768], sizes = [256], strides = [1]} : vector<1024xf32> to vector<256xf32>
    %broadcast_in_dim3A_456 = vector.shape_cast %slice3A_455 : vector<256xf32> to vector<1x256xf32>
    %add3A_457 = vector.broadcast %broadcast_in_dim3A_456 : vector<1x256xf32> to vector<256x256xf32>
    %add3A_458 = arith.addf %slice3A_454, %add3A_457 : vector<256x256xf32>
    %tanh3A_459 = math.tanh %add3A_458 : vector<256x256xf32>
    %mul3A_460 = arith.constant 5.000000e-01 : f32
    %mul3A_461 = vector.broadcast %mul3A_460 : f32 to vector<256x256xf32>
    %mul3A_462 = arith.mulf %mul3A_461, %tanh3A_459 : vector<256x256xf32>
    %add3A_463 = arith.constant 5.000000e-01 : f32
    %add3A_464 = vector.broadcast %add3A_463 : f32 to vector<256x256xf32>
    %add3A_465 = arith.addf %mul3A_462, %add3A_464 : vector<256x256xf32>
    %mul3A_466 = arith.mulf %add3A_447, %get3A_421 : vector<256x256xf32>
    %mul3A_467 = arith.mulf %add3A_435, %tanh3A_453 : vector<256x256xf32>
    %add3A_468 = arith.addf %mul3A_466, %mul3A_467 : vector<256x256xf32>
    %tanh3A_469 = math.tanh %add3A_468 : vector<256x256xf32>
    %mul3A_470 = arith.mulf %add3A_465, %tanh3A_469 : vector<256x256xf32>
    %convert_element_type3A_471 = arith.truncf %mul3A_470 : vector<256x256xf32> to vector<256x256xbf16>
    %swap3A_472 = arith.constant 512 : index
    %swap3A_473 = arith.constant 384 : index
    %swap3A_474 = vector.load %arg8[%swap3A_472, %swap3A_473] : memref<1024x640xbf16, #tpu.memory_space<vmem>>, vector<256x256xbf16>
    tpu.vector_store %arg8[%swap3A_472, %swap3A_473], %convert_element_type3A_471 {strides = array<i32>} : memref<1024x640xbf16, #tpu.memory_space<vmem>>, vector<256x256xbf16>,
    %swap3A_475 = arith.constant 512 : index
    %swap3A_476 = arith.constant 0 : index
    %swap3A_477 = vector.load %arg10[%swap3A_475, %swap3A_476] : memref<1024x256xf32, #tpu.memory_space<vmem>>, vector<256x256xf32>
    tpu.vector_store %arg10[%swap3A_475, %swap3A_476], %add3A_468 {strides = array<i32>} : memref<1024x256xf32, #tpu.memory_space<vmem>>, vector<256x256xf32>,
    %get3A_478 = arith.constant 768 : index
    %get3A_479 = arith.constant 128 : index
    %get3A_480 = vector.load %arg8[%get3A_478, %get3A_479] : memref<1024x640xbf16, #tpu.memory_space<vmem>>, vector<256x512xbf16>
    %get3A_481 = arith.constant 768 : index
    %get3A_482 = arith.constant 0 : index
    %get3A_483 = vector.load %arg10[%get3A_481, %get3A_482] : memref<1024x256xf32, #tpu.memory_space<vmem>>, vector<256x256xf32>
    %dot_general3A_484 = arith.constant dense<0.000000e+00> : vector<256x1024xf32>
    %dot_general3A_485 = tpu.matmul %get3A_480, %get3A_41, %dot_general3A_484 {dimension_numbers = #tpu.dot_dimension_numbers<[1], [0], [0], [1], [0, 0, 1, 1], [], []>, transpose_lhs_hint = false} : vector<256x512xbf16>, vector<512x1024xbf16>, vector<256x1024xf32> -> vector<256x1024xf32>
    %slice3A_486 = vector.extract_strided_slice %dot_general3A_485 {offsets = [0, 0], sizes = [256, 256], strides = [1, 1]} : vector<256x1024xf32> to vector<256x256xf32>
    %slice3A_487 = vector.extract_strided_slice %get3A_49 {offsets = [0], sizes = [256], strides = [1]} : vector<1024xf32> to vector<256xf32>
    %broadcast_in_dim3A_488 = vector.shape_cast %slice3A_487 : vector<256xf32> to vector<1x256xf32>
    %add3A_489 = vector.broadcast %broadcast_in_dim3A_488 : vector<1x256xf32> to vector<256x256xf32>
    %add3A_490 = arith.addf %slice3A_486, %add3A_489 : vector<256x256xf32>
    %tanh3A_491 = math.tanh %add3A_490 : vector<256x256xf32>
    %mul3A_492 = arith.constant 5.000000e-01 : f32
    %mul3A_493 = vector.broadcast %mul3A_492 : f32 to vector<256x256xf32>
    %mul3A_494 = arith.mulf %mul3A_493, %tanh3A_491 : vector<256x256xf32>
    %add3A_495 = arith.constant 5.000000e-01 : f32
    %add3A_496 = vector.broadcast %add3A_495 : f32 to vector<256x256xf32>
    %add3A_497 = arith.addf %mul3A_494, %add3A_496 : vector<256x256xf32>
    %slice3A_498 = vector.extract_strided_slice %dot_general3A_485 {offsets = [0, 256], sizes = [256, 256], strides = [1, 1]} : vector<256x1024xf32> to vector<256x256xf32>
    %slice3A_499 = vector.extract_strided_slice %get3A_49 {offsets = [256], sizes = [256], strides = [1]} : vector<1024xf32> to vector<256xf32>
    %broadcast_in_dim3A_500 = vector.shape_cast %slice3A_499 : vector<256xf32> to vector<1x256xf32>
    %add3A_501 = vector.broadcast %broadcast_in_dim3A_500 : vector<1x256xf32> to vector<256x256xf32>
    %add3A_502 = arith.addf %slice3A_498, %add3A_501 : vector<256x256xf32>
    %tanh3A_503 = math.tanh %add3A_502 : vector<256x256xf32>
    %mul3A_504 = arith.constant 5.000000e-01 : f32
    %mul3A_505 = vector.broadcast %mul3A_504 : f32 to vector<256x256xf32>
    %mul3A_506 = arith.mulf %mul3A_505, %tanh3A_503 : vector<256x256xf32>
    %add3A_507 = arith.constant 5.000000e-01 : f32
    %add3A_508 = vector.broadcast %add3A_507 : f32 to vector<256x256xf32>
    %add3A_509 = arith.addf %mul3A_506, %add3A_508 : vector<256x256xf32>
    %slice3A_510 = vector.extract_strided_slice %dot_general3A_485 {offsets = [0, 512], sizes = [256, 256], strides = [1, 1]} : vector<256x1024xf32> to vector<256x256xf32>
    %slice3A_511 = vector.extract_strided_slice %get3A_49 {offsets = [512], sizes = [256], strides = [1]} : vector<1024xf32> to vector<256xf32>
    %broadcast_in_dim3A_512 = vector.shape_cast %slice3A_511 : vector<256xf32> to vector<1x256xf32>
    %add3A_513 = vector.broadcast %broadcast_in_dim3A_512 : vector<1x256xf32> to vector<256x256xf32>
    %add3A_514 = arith.addf %slice3A_510, %add3A_513 : vector<256x256xf32>
    %tanh3A_515 = math.tanh %add3A_514 : vector<256x256xf32>
    %slice3A_516 = vector.extract_strided_slice %dot_general3A_485 {offsets = [0, 768], sizes = [256, 256], strides = [1, 1]} : vector<256x1024xf32> to vector<256x256xf32>
    %slice3A_517 = vector.extract_strided_slice %get3A_49 {offsets = [768], sizes = [256], strides = [1]} : vector<1024xf32> to vector<256xf32>
    %broadcast_in_dim3A_518 = vector.shape_cast %slice3A_517 : vector<256xf32> to vector<1x256xf32>
    %add3A_519 = vector.broadcast %broadcast_in_dim3A_518 : vector<1x256xf32> to vector<256x256xf32>
    %add3A_520 = arith.addf %slice3A_516, %add3A_519 : vector<256x256xf32>
    %tanh3A_521 = math.tanh %add3A_520 : vector<256x256xf32>
    %mul3A_522 = arith.constant 5.000000e-01 : f32
    %mul3A_523 = vector.broadcast %mul3A_522 : f32 to vector<256x256xf32>
    %mul3A_524 = arith.mulf %mul3A_523, %tanh3A_521 : vector<256x256xf32>
    %add3A_525 = arith.constant 5.000000e-01 : f32
    %add3A_526 = vector.broadcast %add3A_525 : f32 to vector<256x256xf32>
    %add3A_527 = arith.addf %mul3A_524, %add3A_526 : vector<256x256xf32>
    %mul3A_528 = arith.mulf %add3A_509, %get3A_483 : vector<256x256xf32>
    %mul3A_529 = arith.mulf %add3A_497, %tanh3A_515 : vector<256x256xf32>
    %add3A_530 = arith.addf %mul3A_528, %mul3A_529 : vector<256x256xf32>
    %tanh3A_531 = math.tanh %add3A_530 : vector<256x256xf32>
    %mul3A_532 = arith.mulf %add3A_527, %tanh3A_531 : vector<256x256xf32>
    %convert_element_type3A_533 = arith.truncf %mul3A_532 : vector<256x256xf32> to vector<256x256xbf16>
    %swap3A_534 = arith.constant 768 : index
    %swap3A_535 = arith.constant 384 : index
    %swap3A_536 = vector.load %arg8[%swap3A_534, %swap3A_535] : memref<1024x640xbf16, #tpu.memory_space<vmem>>, vector<256x256xbf16>
    tpu.vector_store %arg8[%swap3A_534, %swap3A_535], %convert_element_type3A_533 {strides = array<i32>} : memref<1024x640xbf16, #tpu.memory_space<vmem>>, vector<256x256xbf16>,
    %swap3A_537 = arith.constant 768 : index
    %swap3A_538 = arith.constant 0 : index
    %swap3A_539 = vector.load %arg10[%swap3A_537, %swap3A_538] : memref<1024x256xf32, #tpu.memory_space<vmem>>, vector<256x256xf32>
    tpu.vector_store %arg10[%swap3A_537, %swap3A_538], %add3A_530 {strides = array<i32>} : memref<1024x256xf32, #tpu.memory_space<vmem>>, vector<256x256xf32>,
    %eq3A_540 = arith.constant 9 : i32
    %eq3A_541 = arith.cmpi eq, %arg0, %eq3A_540 : i32
    %convert_element_type3A_542 = arith.extui %eq3A_541 : i1 to i32
    %cond3A_543 = arith.constant 0 : i32
    %cond3A_544 = arith.cmpi ne, %convert_element_type3A_542, %cond3A_543 : i32
    scf.if %cond3A_544 {
      %convert_element_type3A_545 = arith.truncf %mul3A_98 : vector<256x256xf32> to vector<256x256xbf16>
      %swap3A_546 = arith.constant 0 : index
      %swap3A_547 = arith.constant 0 : index
      %swap3A_548 = arith.constant 0 : index
      %swap3A_549 = vector.load %arg6[%swap3A_546, %swap3A_547, %swap3A_548] : memref<2x1024x256xbf16, #tpu.memory_space<vmem>>, vector<1x256x256xbf16>
      %swap3A_550 = vector.shape_cast %swap3A_549 : vector<1x256x256xbf16> to vector<256x256xbf16>
      %swap3A_551 = vector.shape_cast %convert_element_type3A_545 : vector<256x256xbf16> to vector<1x256x256xbf16>
      tpu.vector_store %arg6[%swap3A_546, %swap3A_547, %swap3A_548], %swap3A_551 {strides = array<i32>} : memref<2x1024x256xbf16, #tpu.memory_space<vmem>>, vector<1x256x256xbf16>,
      %convert_element_type3A_552 = arith.truncf %mul3A_346 : vector<256x256xf32> to vector<256x256xbf16>
      %swap3A_553 = arith.constant 1 : index
      %swap3A_554 = arith.constant 0 : index
      %swap3A_555 = arith.constant 0 : index
      %swap3A_556 = vector.load %arg6[%swap3A_553, %swap3A_554, %swap3A_555] : memref<2x1024x256xbf16, #tpu.memory_space<vmem>>, vector<1x256x256xbf16>
      %swap3A_557 = vector.shape_cast %swap3A_556 : vector<1x256x256xbf16> to vector<256x256xbf16>
      %swap3A_558 = vector.shape_cast %convert_element_type3A_552 : vector<256x256xbf16> to vector<1x256x256xbf16>
      tpu.vector_store %arg6[%swap3A_553, %swap3A_554, %swap3A_555], %swap3A_558 {strides = array<i32>} : memref<2x1024x256xbf16, #tpu.memory_space<vmem>>, vector<1x256x256xbf16>,
      %swap3A_559 = arith.constant 0 : index
      %swap3A_560 = arith.constant 0 : index
      %swap3A_561 = arith.constant 0 : index
      %swap3A_562 = vector.load %arg7[%swap3A_559, %swap3A_560, %swap3A_561] : memref<2x1024x256xf32, #tpu.memory_space<vmem>>, vector<1x256x256xf32>
      %swap3A_563 = vector.shape_cast %swap3A_562 : vector<1x256x256xf32> to vector<256x256xf32>
      %swap3A_564 = vector.shape_cast %add3A_96 : vector<256x256xf32> to vector<1x256x256xf32>
      tpu.vector_store %arg7[%swap3A_559, %swap3A_560, %swap3A_561], %swap3A_564 {strides = array<i32>} : memref<2x1024x256xf32, #tpu.memory_space<vmem>>, vector<1x256x256xf32>,
      %swap3A_565 = arith.constant 1 : index
      %swap3A_566 = arith.constant 0 : index
      %swap3A_567 = arith.constant 0 : index
      %swap3A_568 = vector.load %arg7[%swap3A_565, %swap3A_566, %swap3A_567] : memref<2x1024x256xf32, #tpu.memory_space<vmem>>, vector<1x256x256xf32>
      %swap3A_569 = vector.shape_cast %swap3A_568 : vector<1x256x256xf32> to vector<256x256xf32>
      %swap3A_570 = vector.shape_cast %add3A_344 : vector<256x256xf32> to vector<1x256x256xf32>
      tpu.vector_store %arg7[%swap3A_565, %swap3A_566, %swap3A_567], %swap3A_570 {strides = array<i32>} : memref<2x1024x256xf32, #tpu.memory_space<vmem>>, vector<1x256x256xf32>,
      %convert_element_type3A_571 = arith.truncf %mul3A_160 : vector<256x256xf32> to vector<256x256xbf16>
      %swap3A_572 = arith.constant 0 : index
      %swap3A_573 = arith.constant 256 : index
      %swap3A_574 = arith.constant 0 : index
      %swap3A_575 = vector.load %arg6[%swap3A_572, %swap3A_573, %swap3A_574] : memref<2x1024x256xbf16, #tpu.memory_space<vmem>>, vector<1x256x256xbf16>
      %swap3A_576 = vector.shape_cast %swap3A_575 : vector<1x256x256xbf16> to vector<256x256xbf16>
      %swap3A_577 = vector.shape_cast %convert_element_type3A_571 : vector<256x256xbf16> to vector<1x256x256xbf16>
      tpu.vector_store %arg6[%swap3A_572, %swap3A_573, %swap3A_574], %swap3A_577 {strides = array<i32>} : memref<2x1024x256xbf16, #tpu.memory_space<vmem>>, vector<1x256x256xbf16>,
      %convert_element_type3A_578 = arith.truncf %mul3A_408 : vector<256x256xf32> to vector<256x256xbf16>
      %swap3A_579 = arith.constant 1 : index
      %swap3A_580 = arith.constant 256 : index
      %swap3A_581 = arith.constant 0 : index
      %swap3A_582 = vector.load %arg6[%swap3A_579, %swap3A_580, %swap3A_581] : memref<2x1024x256xbf16, #tpu.memory_space<vmem>>, vector<1x256x256xbf16>
      %swap3A_583 = vector.shape_cast %swap3A_582 : vector<1x256x256xbf16> to vector<256x256xbf16>
      %swap3A_584 = vector.shape_cast %convert_element_type3A_578 : vector<256x256xbf16> to vector<1x256x256xbf16>
      tpu.vector_store %arg6[%swap3A_579, %swap3A_580, %swap3A_581], %swap3A_584 {strides = array<i32>} : memref<2x1024x256xbf16, #tpu.memory_space<vmem>>, vector<1x256x256xbf16>,
      %swap3A_585 = arith.constant 0 : index
      %swap3A_586 = arith.constant 256 : index
      %swap3A_587 = arith.constant 0 : index
      %swap3A_588 = vector.load %arg7[%swap3A_585, %swap3A_586, %swap3A_587] : memref<2x1024x256xf32, #tpu.memory_space<vmem>>, vector<1x256x256xf32>
      %swap3A_589 = vector.shape_cast %swap3A_588 : vector<1x256x256xf32> to vector<256x256xf32>
      %swap3A_590 = vector.shape_cast %add3A_158 : vector<256x256xf32> to vector<1x256x256xf32>
      tpu.vector_store %arg7[%swap3A_585, %swap3A_586, %swap3A_587], %swap3A_590 {strides = array<i32>} : memref<2x1024x256xf32, #tpu.memory_space<vmem>>, vector<1x256x256xf32>,
      %swap3A_591 = arith.constant 1 : index
      %swap3A_592 = arith.constant 256 : index
      %swap3A_593 = arith.constant 0 : index
      %swap3A_594 = vector.load %arg7[%swap3A_591, %swap3A_592, %swap3A_593] : memref<2x1024x256xf32, #tpu.memory_space<vmem>>, vector<1x256x256xf32>
      %swap3A_595 = vector.shape_cast %swap3A_594 : vector<1x256x256xf32> to vector<256x256xf32>
      %swap3A_596 = vector.shape_cast %add3A_406 : vector<256x256xf32> to vector<1x256x256xf32>
      tpu.vector_store %arg7[%swap3A_591, %swap3A_592, %swap3A_593], %swap3A_596 {strides = array<i32>} : memref<2x1024x256xf32, #tpu.memory_space<vmem>>, vector<1x256x256xf32>,
      %convert_element_type3A_597 = arith.truncf %mul3A_222 : vector<256x256xf32> to vector<256x256xbf16>
      %swap3A_598 = arith.constant 0 : index
      %swap3A_599 = arith.constant 512 : index
      %swap3A_600 = arith.constant 0 : index
      %swap3A_601 = vector.load %arg6[%swap3A_598, %swap3A_599, %swap3A_600] : memref<2x1024x256xbf16, #tpu.memory_space<vmem>>, vector<1x256x256xbf16>
      %swap3A_602 = vector.shape_cast %swap3A_601 : vector<1x256x256xbf16> to vector<256x256xbf16>
      %swap3A_603 = vector.shape_cast %convert_element_type3A_597 : vector<256x256xbf16> to vector<1x256x256xbf16>
      tpu.vector_store %arg6[%swap3A_598, %swap3A_599, %swap3A_600], %swap3A_603 {strides = array<i32>} : memref<2x1024x256xbf16, #tpu.memory_space<vmem>>, vector<1x256x256xbf16>,
      %convert_element_type3A_604 = arith.truncf %mul3A_470 : vector<256x256xf32> to vector<256x256xbf16>
      %swap3A_605 = arith.constant 1 : index
      %swap3A_606 = arith.constant 512 : index
      %swap3A_607 = arith.constant 0 : index
      %swap3A_608 = vector.load %arg6[%swap3A_605, %swap3A_606, %swap3A_607] : memref<2x1024x256xbf16, #tpu.memory_space<vmem>>, vector<1x256x256xbf16>
      %swap3A_609 = vector.shape_cast %swap3A_608 : vector<1x256x256xbf16> to vector<256x256xbf16>
      %swap3A_610 = vector.shape_cast %convert_element_type3A_604 : vector<256x256xbf16> to vector<1x256x256xbf16>
      tpu.vector_store %arg6[%swap3A_605, %swap3A_606, %swap3A_607], %swap3A_610 {strides = array<i32>} : memref<2x1024x256xbf16, #tpu.memory_space<vmem>>, vector<1x256x256xbf16>,
      %swap3A_611 = arith.constant 0 : index
      %swap3A_612 = arith.constant 512 : index
      %swap3A_613 = arith.constant 0 : index
      %swap3A_614 = vector.load %arg7[%swap3A_611, %swap3A_612, %swap3A_613] : memref<2x1024x256xf32, #tpu.memory_space<vmem>>, vector<1x256x256xf32>
      %swap3A_615 = vector.shape_cast %swap3A_614 : vector<1x256x256xf32> to vector<256x256xf32>
      %swap3A_616 = vector.shape_cast %add3A_220 : vector<256x256xf32> to vector<1x256x256xf32>
      tpu.vector_store %arg7[%swap3A_611, %swap3A_612, %swap3A_613], %swap3A_616 {strides = array<i32>} : memref<2x1024x256xf32, #tpu.memory_space<vmem>>, vector<1x256x256xf32>,
      %swap3A_617 = arith.constant 1 : index
      %swap3A_618 = arith.constant 512 : index
      %swap3A_619 = arith.constant 0 : index
      %swap3A_620 = vector.load %arg7[%swap3A_617, %swap3A_618, %swap3A_619] : memref<2x1024x256xf32, #tpu.memory_space<vmem>>, vector<1x256x256xf32>
      %swap3A_621 = vector.shape_cast %swap3A_620 : vector<1x256x256xf32> to vector<256x256xf32>
      %swap3A_622 = vector.shape_cast %add3A_468 : vector<256x256xf32> to vector<1x256x256xf32>
      tpu.vector_store %arg7[%swap3A_617, %swap3A_618, %swap3A_619], %swap3A_622 {strides = array<i32>} : memref<2x1024x256xf32, #tpu.memory_space<vmem>>, vector<1x256x256xf32>,
      %convert_element_type3A_623 = arith.truncf %mul3A_284 : vector<256x256xf32> to vector<256x256xbf16>
      %swap3A_624 = arith.constant 0 : index
      %swap3A_625 = arith.constant 768 : index
      %swap3A_626 = arith.constant 0 : index
      %swap3A_627 = vector.load %arg6[%swap3A_624, %swap3A_625, %swap3A_626] : memref<2x1024x256xbf16, #tpu.memory_space<vmem>>, vector<1x256x256xbf16>
      %swap3A_628 = vector.shape_cast %swap3A_627 : vector<1x256x256xbf16> to vector<256x256xbf16>
      %swap3A_629 = vector.shape_cast %convert_element_type3A_623 : vector<256x256xbf16> to vector<1x256x256xbf16>
      tpu.vector_store %arg6[%swap3A_624, %swap3A_625, %swap3A_626], %swap3A_629 {strides = array<i32>} : memref<2x1024x256xbf16, #tpu.memory_space<vmem>>, vector<1x256x256xbf16>,
      %convert_element_type3A_630 = arith.truncf %mul3A_532 : vector<256x256xf32> to vector<256x256xbf16>
      %swap3A_631 = arith.constant 1 : index
      %swap3A_632 = arith.constant 768 : index
      %swap3A_633 = arith.constant 0 : index
      %swap3A_634 = vector.load %arg6[%swap3A_631, %swap3A_632, %swap3A_633] : memref<2x1024x256xbf16, #tpu.memory_space<vmem>>, vector<1x256x256xbf16>
      %swap3A_635 = vector.shape_cast %swap3A_634 : vector<1x256x256xbf16> to vector<256x256xbf16>
      %swap3A_636 = vector.shape_cast %convert_element_type3A_630 : vector<256x256xbf16> to vector<1x256x256xbf16>
      tpu.vector_store %arg6[%swap3A_631, %swap3A_632, %swap3A_633], %swap3A_636 {strides = array<i32>} : memref<2x1024x256xbf16, #tpu.memory_space<vmem>>, vector<1x256x256xbf16>,
      %swap3A_637 = arith.constant 0 : index
      %swap3A_638 = arith.constant 768 : index
      %swap3A_639 = arith.constant 0 : index
      %swap3A_640 = vector.load %arg7[%swap3A_637, %swap3A_638, %swap3A_639] : memref<2x1024x256xf32, #tpu.memory_space<vmem>>, vector<1x256x256xf32>
      %swap3A_641 = vector.shape_cast %swap3A_640 : vector<1x256x256xf32> to vector<256x256xf32>
      %swap3A_642 = vector.shape_cast %add3A_282 : vector<256x256xf32> to vector<1x256x256xf32>
      tpu.vector_store %arg7[%swap3A_637, %swap3A_638, %swap3A_639], %swap3A_642 {strides = array<i32>} : memref<2x1024x256xf32, #tpu.memory_space<vmem>>, vector<1x256x256xf32>,
      %swap3A_643 = arith.constant 1 : index
      %swap3A_644 = arith.constant 768 : index
      %swap3A_645 = arith.constant 0 : index
      %swap3A_646 = vector.load %arg7[%swap3A_643, %swap3A_644, %swap3A_645] : memref<2x1024x256xf32, #tpu.memory_space<vmem>>, vector<1x256x256xf32>
      %swap3A_647 = vector.shape_cast %swap3A_646 : vector<1x256x256xf32> to vector<256x256xf32>
      %swap3A_648 = vector.shape_cast %add3A_530 : vector<256x256xf32> to vector<1x256x256xf32>
      tpu.vector_store %arg7[%swap3A_643, %swap3A_644, %swap3A_645], %swap3A_648 {strides = array<i32>} : memref<2x1024x256xf32, #tpu.memory_space<vmem>>, vector<1x256x256xf32>,
    } else {
    }
    return
  }
  func.func @transform_0(%arg0: i32) -> (i32, i32, i32) {
    %c0_i32 = arith.constant 0 : i32
    %c0_i32_0 = arith.constant 0 : i32
    %c0_i32_1 = arith.constant 0 : i32
    return %arg0, %c0_i32, %c0_i32_0 : i32, i32, i32
  }
  func.func @transform_1(%arg0: i32) -> (i32, i32) {
    %c0_i32 = arith.constant 0 : i32
    %c0_i32_0 = arith.constant 0 : i32
    %c0_i32_1 = arith.constant 0 : i32
    return %c0_i32, %c0_i32_0 : i32, i32
  }
  func.func @transform_2(%arg0: i32) -> (i32, i32) {
    %c0_i32 = arith.constant 0 : i32
    %c0_i32_0 = arith.constant 0 : i32
    %c0_i32_1 = arith.constant 0 : i32
    return %c0_i32, %c0_i32_0 : i32, i32
  }
  func.func @transform_3(%arg0: i32) -> (i32, i32) {
    %c0_i32 = arith.constant 0 : i32
    %c0_i32_0 = arith.constant 0 : i32
    %c0_i32_1 = arith.constant 0 : i32
    return %c0_i32, %c0_i32_0 : i32, i32
  }
  func.func @transform_4(%arg0: i32) -> (i32, i32) {
    %c0_i32 = arith.constant 0 : i32
    %c0_i32_0 = arith.constant 0 : i32
    %c0_i32_1 = arith.constant 0 : i32
    return %c0_i32, %c0_i32_0 : i32, i32
  }
  func.func @transform_5(%arg0: i32) -> (i32, i32, i32) {
    %c0_i32 = arith.constant 0 : i32
    %c0_i32_0 = arith.constant 0 : i32
    %c0_i32_1 = arith.constant 0 : i32
    %c0_i32_2 = arith.constant 0 : i32
    return %c0_i32, %c0_i32_0, %c0_i32_1 : i32, i32, i32
  }
  func.func @transform_6(%arg0: i32) -> (i32, i32, i32) {
    %c0_i32 = arith.constant 0 : i32
    %c0_i32_0 = arith.constant 0 : i32
    %c0_i32_1 = arith.constant 0 : i32
    %c0_i32_2 = arith.constant 0 : i32
    return %c0_i32, %c0_i32_0, %c0_i32_1 : i32, i32, i32
  }
}

module attributes {stable_mosaic.version = 14 : i64} {
  func.func @body(%arg0: i32, %arg1: memref<1x1024x128xf32, #tpu.memory_space<vmem>>, %arg2: memref<384x1024xbf16, #tpu.memory_space<vmem>>, %arg3: memref<1x1024xf32, #tpu.memory_space<vmem>>, %arg4: memref<512x1024xbf16, #tpu.memory_space<vmem>>, %arg5: memref<1x1024xf32, #tpu.memory_space<vmem>>, %arg6: memref<2x1024x256xbf16, #tpu.memory_space<vmem>>, %arg7: memref<2x1024x256xf32, #tpu.memory_space<vmem>>, %arg8: memref<2x1024x256xf32, #tpu.memory_space<vmem>>, %arg9: memref<2x1024x256xf32, #tpu.memory_space<vmem>>, %arg10: memref<1024x640xbf16, #tpu.memory_space<vmem>>, %arg11: memref<1024x256xf32, #tpu.memory_space<vmem>>, %arg12: memref<1024x256xf32, #tpu.memory_space<vmem>>) attributes {dimension_semantics = [#tpu.dimension_semantics<arbitrary>], iteration_bounds = array<i64: 40>, scalar_prefetch = 0 : i64, scratch_operands = 3 : i64, tpu.core_type = #tpu.core_type<tc>, window_params = [{transform_indices = @transform_0, window_bounds = array<i64: 1, 1024, 128>}, {pipeline_mode = #tpu.pipeline_mode<synchronous>, transform_indices = @transform_1, window_bounds = array<i64: 384, 1024>}, {pipeline_mode = #tpu.pipeline_mode<synchronous>, transform_indices = @transform_2, window_bounds = array<i64: 1, 1024>}, {pipeline_mode = #tpu.pipeline_mode<synchronous>, transform_indices = @transform_3, window_bounds = array<i64: 512, 1024>}, {pipeline_mode = #tpu.pipeline_mode<synchronous>, transform_indices = @transform_4, window_bounds = array<i64: 1, 1024>}, {pipeline_mode = #tpu.pipeline_mode<synchronous>, transform_indices = @transform_5, window_bounds = array<i64: 2, 1024, 256>}, {pipeline_mode = #tpu.pipeline_mode<synchronous>, transform_indices = @transform_6, window_bounds = array<i64: 2, 1024, 256>}, {pipeline_mode = #tpu.pipeline_mode<synchronous>, transform_indices = @transform_7, window_bounds = array<i64: 2, 1024, 256>}, {pipeline_mode = #tpu.pipeline_mode<synchronous>, transform_indices = @transform_8, window_bounds = array<i64: 2, 1024, 256>}]} {
    %eq3A = arith.constant 0 : i32
    %eq3A_0 = arith.cmpi eq, %arg0, %eq3A : i32
    %convert_element_type3A = arith.extui %eq3A_0 : i1 to i32
    %cond3A = arith.constant 0 : i32
    %cond3A_1 = arith.cmpi ne, %convert_element_type3A, %cond3A : i32
    scf.if %cond3A_1 {
      %get3A_545 = arith.constant 0 : index
      %get3A_546 = arith.constant 0 : index
      %get3A_547 = arith.constant 0 : index
      %get3A_548 = vector.load %arg6[%get3A_545, %get3A_546, %get3A_547] : memref<2x1024x256xbf16, #tpu.memory_space<vmem>>, vector<1x1024x256xbf16>
      %get3A_549 = vector.shape_cast %get3A_548 : vector<1x1024x256xbf16> to vector<1024x256xbf16>
      %swap3A_550 = arith.constant 0 : index
      %swap3A_551 = arith.constant 128 : index
      %swap3A_552 = vector.load %arg10[%swap3A_550, %swap3A_551] : memref<1024x640xbf16, #tpu.memory_space<vmem>>, vector<1024x256xbf16>
      tpu.vector_store %arg10[%swap3A_550, %swap3A_551], %get3A_549 {strides = array<i32>} : memref<1024x640xbf16, #tpu.memory_space<vmem>>, vector<1024x256xbf16>,
      %get3A_553 = arith.constant 1 : index
      %get3A_554 = arith.constant 0 : index
      %get3A_555 = arith.constant 0 : index
      %get3A_556 = vector.load %arg6[%get3A_553, %get3A_554, %get3A_555] : memref<2x1024x256xbf16, #tpu.memory_space<vmem>>, vector<1x1024x256xbf16>
      %get3A_557 = vector.shape_cast %get3A_556 : vector<1x1024x256xbf16> to vector<1024x256xbf16>
      %swap3A_558 = arith.constant 0 : index
      %swap3A_559 = arith.constant 384 : index
      %swap3A_560 = vector.load %arg10[%swap3A_558, %swap3A_559] : memref<1024x640xbf16, #tpu.memory_space<vmem>>, vector<1024x256xbf16>
      tpu.vector_store %arg10[%swap3A_558, %swap3A_559], %get3A_557 {strides = array<i32>} : memref<1024x640xbf16, #tpu.memory_space<vmem>>, vector<1024x256xbf16>,
      %get3A_561 = arith.constant 0 : index
      %get3A_562 = arith.constant 0 : index
      %get3A_563 = arith.constant 0 : index
      %get3A_564 = vector.load %arg7[%get3A_561, %get3A_562, %get3A_563] : memref<2x1024x256xf32, #tpu.memory_space<vmem>>, vector<1x1024x256xf32>
      %get3A_565 = vector.shape_cast %get3A_564 : vector<1x1024x256xf32> to vector<1024x256xf32>
      %swap3A_566 = arith.constant 0 : index
      %swap3A_567 = arith.constant 0 : index
      %swap3A_568 = vector.load %arg11[%swap3A_566, %swap3A_567] : memref<1024x256xf32, #tpu.memory_space<vmem>>, vector<1024x256xf32>
      tpu.vector_store %arg11[%swap3A_566, %swap3A_567], %get3A_565 {strides = array<i32>} : memref<1024x256xf32, #tpu.memory_space<vmem>>, vector<1024x256xf32>,
      %get3A_569 = arith.constant 1 : index
      %get3A_570 = arith.constant 0 : index
      %get3A_571 = arith.constant 0 : index
      %get3A_572 = vector.load %arg7[%get3A_569, %get3A_570, %get3A_571] : memref<2x1024x256xf32, #tpu.memory_space<vmem>>, vector<1x1024x256xf32>
      %get3A_573 = vector.shape_cast %get3A_572 : vector<1x1024x256xf32> to vector<1024x256xf32>
      %swap3A_574 = arith.constant 0 : index
      %swap3A_575 = arith.constant 0 : index
      %swap3A_576 = vector.load %arg12[%swap3A_574, %swap3A_575] : memref<1024x256xf32, #tpu.memory_space<vmem>>, vector<1024x256xf32>
      tpu.vector_store %arg12[%swap3A_574, %swap3A_575], %get3A_573 {strides = array<i32>} : memref<1024x256xf32, #tpu.memory_space<vmem>>, vector<1024x256xf32>,
    } else {
    }
    %get3A = arith.constant 0 : index
    %get3A_2 = arith.constant 0 : index
    %get3A_3 = arith.constant 0 : index
    %get3A_4 = vector.load %arg1[%get3A, %get3A_2, %get3A_3] : memref<1x1024x128xf32, #tpu.memory_space<vmem>>, vector<1x256x128xf32>
    %get3A_5 = vector.shape_cast %get3A_4 : vector<1x256x128xf32> to vector<256x128xf32>
    %convert_element_type3A_6 = arith.truncf %get3A_5 : vector<256x128xf32> to vector<256x128xbf16>
    %swap3A = arith.constant 0 : index
    %swap3A_7 = arith.constant 0 : index
    %swap3A_8 = vector.load %arg10[%swap3A, %swap3A_7] : memref<1024x640xbf16, #tpu.memory_space<vmem>>, vector<256x128xbf16>
    tpu.vector_store %arg10[%swap3A, %swap3A_7], %convert_element_type3A_6 {strides = array<i32>} : memref<1024x640xbf16, #tpu.memory_space<vmem>>, vector<256x128xbf16>,
    %get3A_9 = arith.constant 0 : index
    %get3A_10 = arith.constant 256 : index
    %get3A_11 = arith.constant 0 : index
    %get3A_12 = vector.load %arg1[%get3A_9, %get3A_10, %get3A_11] : memref<1x1024x128xf32, #tpu.memory_space<vmem>>, vector<1x256x128xf32>
    %get3A_13 = vector.shape_cast %get3A_12 : vector<1x256x128xf32> to vector<256x128xf32>
    %convert_element_type3A_14 = arith.truncf %get3A_13 : vector<256x128xf32> to vector<256x128xbf16>
    %swap3A_15 = arith.constant 256 : index
    %swap3A_16 = arith.constant 0 : index
    %swap3A_17 = vector.load %arg10[%swap3A_15, %swap3A_16] : memref<1024x640xbf16, #tpu.memory_space<vmem>>, vector<256x128xbf16>
    tpu.vector_store %arg10[%swap3A_15, %swap3A_16], %convert_element_type3A_14 {strides = array<i32>} : memref<1024x640xbf16, #tpu.memory_space<vmem>>, vector<256x128xbf16>,
    %get3A_18 = arith.constant 0 : index
    %get3A_19 = arith.constant 512 : index
    %get3A_20 = arith.constant 0 : index
    %get3A_21 = vector.load %arg1[%get3A_18, %get3A_19, %get3A_20] : memref<1x1024x128xf32, #tpu.memory_space<vmem>>, vector<1x256x128xf32>
    %get3A_22 = vector.shape_cast %get3A_21 : vector<1x256x128xf32> to vector<256x128xf32>
    %convert_element_type3A_23 = arith.truncf %get3A_22 : vector<256x128xf32> to vector<256x128xbf16>
    %swap3A_24 = arith.constant 512 : index
    %swap3A_25 = arith.constant 0 : index
    %swap3A_26 = vector.load %arg10[%swap3A_24, %swap3A_25] : memref<1024x640xbf16, #tpu.memory_space<vmem>>, vector<256x128xbf16>
    tpu.vector_store %arg10[%swap3A_24, %swap3A_25], %convert_element_type3A_23 {strides = array<i32>} : memref<1024x640xbf16, #tpu.memory_space<vmem>>, vector<256x128xbf16>,
    %get3A_27 = arith.constant 0 : index
    %get3A_28 = arith.constant 768 : index
    %get3A_29 = arith.constant 0 : index
    %get3A_30 = vector.load %arg1[%get3A_27, %get3A_28, %get3A_29] : memref<1x1024x128xf32, #tpu.memory_space<vmem>>, vector<1x256x128xf32>
    %get3A_31 = vector.shape_cast %get3A_30 : vector<1x256x128xf32> to vector<256x128xf32>
    %convert_element_type3A_32 = arith.truncf %get3A_31 : vector<256x128xf32> to vector<256x128xbf16>
    %swap3A_33 = arith.constant 768 : index
    %swap3A_34 = arith.constant 0 : index
    %swap3A_35 = vector.load %arg10[%swap3A_33, %swap3A_34] : memref<1024x640xbf16, #tpu.memory_space<vmem>>, vector<256x128xbf16>
    tpu.vector_store %arg10[%swap3A_33, %swap3A_34], %convert_element_type3A_32 {strides = array<i32>} : memref<1024x640xbf16, #tpu.memory_space<vmem>>, vector<256x128xbf16>,
    %get3A_36 = arith.constant 0 : index
    %get3A_37 = arith.constant 0 : index
    %get3A_38 = vector.load %arg2[%get3A_36, %get3A_37] : memref<384x1024xbf16, #tpu.memory_space<vmem>>, vector<384x1024xbf16>
    %get3A_39 = arith.constant 0 : index
    %get3A_40 = arith.constant 0 : index
    %get3A_41 = vector.load %arg4[%get3A_39, %get3A_40] : memref<512x1024xbf16, #tpu.memory_space<vmem>>, vector<512x1024xbf16>
    %get3A_42 = arith.constant 0 : index
    %get3A_43 = arith.constant 0 : index
    %get3A_44 = vector.load %arg3[%get3A_42, %get3A_43] : memref<1x1024xf32, #tpu.memory_space<vmem>>, vector<1x1024xf32>
    %get3A_45 = vector.shape_cast %get3A_44 : vector<1x1024xf32> to vector<1024xf32>
    %get3A_46 = arith.constant 0 : index
    %get3A_47 = arith.constant 0 : index
    %get3A_48 = vector.load %arg5[%get3A_46, %get3A_47] : memref<1x1024xf32, #tpu.memory_space<vmem>>, vector<1x1024xf32>
    %get3A_49 = vector.shape_cast %get3A_48 : vector<1x1024xf32> to vector<1024xf32>
    %get3A_50 = arith.constant 0 : index
    %get3A_51 = arith.constant 0 : index
    %get3A_52 = vector.load %arg10[%get3A_50, %get3A_51] : memref<1024x640xbf16, #tpu.memory_space<vmem>>, vector<256x384xbf16>
    %get3A_53 = arith.constant 0 : index
    %get3A_54 = arith.constant 0 : index
    %get3A_55 = vector.load %arg11[%get3A_53, %get3A_54] : memref<1024x256xf32, #tpu.memory_space<vmem>>, vector<256x256xf32>
    %dot_general3A = arith.constant dense<0.000000e+00> : vector<256x1024xf32>
    %dot_general3A_56 = tpu.matmul %get3A_52, %get3A_38, %dot_general3A {dimension_numbers = #tpu.dot_dimension_numbers<[1], [0], [0], [1], [0, 0, 1, 1], [], []>, transpose_lhs_hint = false} : vector<256x384xbf16>, vector<384x1024xbf16>, vector<256x1024xf32> -> vector<256x1024xf32>
    %slice3A = vector.extract_strided_slice %dot_general3A_56 {offsets = [0, 0], sizes = [256, 256], strides = [1, 1]} : vector<256x1024xf32> to vector<256x256xf32>
    %slice3A_57 = vector.extract_strided_slice %get3A_45 {offsets = [0], sizes = [256], strides = [1]} : vector<1024xf32> to vector<256xf32>
    %broadcast_in_dim3A = vector.shape_cast %slice3A_57 : vector<256xf32> to vector<1x256xf32>
    %add3A = vector.broadcast %broadcast_in_dim3A : vector<1x256xf32> to vector<256x256xf32>
    %add3A_58 = arith.addf %slice3A, %add3A : vector<256x256xf32>
    %tanh3A = math.tanh %add3A_58 : vector<256x256xf32>
    %mul3A = arith.constant 5.000000e-01 : f32
    %mul3A_59 = vector.broadcast %mul3A : f32 to vector<256x256xf32>
    %mul3A_60 = arith.mulf %mul3A_59, %tanh3A : vector<256x256xf32>
    %add3A_61 = arith.constant 5.000000e-01 : f32
    %add3A_62 = vector.broadcast %add3A_61 : f32 to vector<256x256xf32>
    %add3A_63 = arith.addf %mul3A_60, %add3A_62 : vector<256x256xf32>
    %slice3A_64 = vector.extract_strided_slice %dot_general3A_56 {offsets = [0, 256], sizes = [256, 256], strides = [1, 1]} : vector<256x1024xf32> to vector<256x256xf32>
    %slice3A_65 = vector.extract_strided_slice %get3A_45 {offsets = [256], sizes = [256], strides = [1]} : vector<1024xf32> to vector<256xf32>
    %broadcast_in_dim3A_66 = vector.shape_cast %slice3A_65 : vector<256xf32> to vector<1x256xf32>
    %add3A_67 = vector.broadcast %broadcast_in_dim3A_66 : vector<1x256xf32> to vector<256x256xf32>
    %add3A_68 = arith.addf %slice3A_64, %add3A_67 : vector<256x256xf32>
    %tanh3A_69 = math.tanh %add3A_68 : vector<256x256xf32>
    %mul3A_70 = arith.constant 5.000000e-01 : f32
    %mul3A_71 = vector.broadcast %mul3A_70 : f32 to vector<256x256xf32>
    %mul3A_72 = arith.mulf %mul3A_71, %tanh3A_69 : vector<256x256xf32>
    %add3A_73 = arith.constant 5.000000e-01 : f32
    %add3A_74 = vector.broadcast %add3A_73 : f32 to vector<256x256xf32>
    %add3A_75 = arith.addf %mul3A_72, %add3A_74 : vector<256x256xf32>
    %slice3A_76 = vector.extract_strided_slice %dot_general3A_56 {offsets = [0, 512], sizes = [256, 256], strides = [1, 1]} : vector<256x1024xf32> to vector<256x256xf32>
    %slice3A_77 = vector.extract_strided_slice %get3A_45 {offsets = [512], sizes = [256], strides = [1]} : vector<1024xf32> to vector<256xf32>
    %broadcast_in_dim3A_78 = vector.shape_cast %slice3A_77 : vector<256xf32> to vector<1x256xf32>
    %add3A_79 = vector.broadcast %broadcast_in_dim3A_78 : vector<1x256xf32> to vector<256x256xf32>
    %add3A_80 = arith.addf %slice3A_76, %add3A_79 : vector<256x256xf32>
    %tanh3A_81 = math.tanh %add3A_80 : vector<256x256xf32>
    %slice3A_82 = vector.extract_strided_slice %dot_general3A_56 {offsets = [0, 768], sizes = [256, 256], strides = [1, 1]} : vector<256x1024xf32> to vector<256x256xf32>
    %slice3A_83 = vector.extract_strided_slice %get3A_45 {offsets = [768], sizes = [256], strides = [1]} : vector<1024xf32> to vector<256xf32>
    %broadcast_in_dim3A_84 = vector.shape_cast %slice3A_83 : vector<256xf32> to vector<1x256xf32>
    %add3A_85 = vector.broadcast %broadcast_in_dim3A_84 : vector<1x256xf32> to vector<256x256xf32>
    %add3A_86 = arith.addf %slice3A_82, %add3A_85 : vector<256x256xf32>
    %tanh3A_87 = math.tanh %add3A_86 : vector<256x256xf32>
    %mul3A_88 = arith.constant 5.000000e-01 : f32
    %mul3A_89 = vector.broadcast %mul3A_88 : f32 to vector<256x256xf32>
    %mul3A_90 = arith.mulf %mul3A_89, %tanh3A_87 : vector<256x256xf32>
    %add3A_91 = arith.constant 5.000000e-01 : f32
    %add3A_92 = vector.broadcast %add3A_91 : f32 to vector<256x256xf32>
    %add3A_93 = arith.addf %mul3A_90, %add3A_92 : vector<256x256xf32>
    %mul3A_94 = arith.mulf %add3A_75, %get3A_55 : vector<256x256xf32>
    %mul3A_95 = arith.mulf %add3A_63, %tanh3A_81 : vector<256x256xf32>
    %add3A_96 = arith.addf %mul3A_94, %mul3A_95 : vector<256x256xf32>
    %tanh3A_97 = math.tanh %add3A_96 : vector<256x256xf32>
    %mul3A_98 = arith.mulf %add3A_93, %tanh3A_97 : vector<256x256xf32>
    %convert_element_type3A_99 = arith.truncf %mul3A_98 : vector<256x256xf32> to vector<256x256xbf16>
    %swap3A_100 = arith.constant 0 : index
    %swap3A_101 = arith.constant 128 : index
    %swap3A_102 = vector.load %arg10[%swap3A_100, %swap3A_101] : memref<1024x640xbf16, #tpu.memory_space<vmem>>, vector<256x256xbf16>
    tpu.vector_store %arg10[%swap3A_100, %swap3A_101], %convert_element_type3A_99 {strides = array<i32>} : memref<1024x640xbf16, #tpu.memory_space<vmem>>, vector<256x256xbf16>,
    %swap3A_103 = arith.constant 0 : index
    %swap3A_104 = arith.constant 0 : index
    %swap3A_105 = vector.load %arg11[%swap3A_103, %swap3A_104] : memref<1024x256xf32, #tpu.memory_space<vmem>>, vector<256x256xf32>
    tpu.vector_store %arg11[%swap3A_103, %swap3A_104], %add3A_96 {strides = array<i32>} : memref<1024x256xf32, #tpu.memory_space<vmem>>, vector<256x256xf32>,
    %get3A_106 = arith.constant 256 : index
    %get3A_107 = arith.constant 0 : index
    %get3A_108 = vector.load %arg10[%get3A_106, %get3A_107] : memref<1024x640xbf16, #tpu.memory_space<vmem>>, vector<256x384xbf16>
    %get3A_109 = arith.constant 256 : index
    %get3A_110 = arith.constant 0 : index
    %get3A_111 = vector.load %arg11[%get3A_109, %get3A_110] : memref<1024x256xf32, #tpu.memory_space<vmem>>, vector<256x256xf32>
    %dot_general3A_112 = arith.constant dense<0.000000e+00> : vector<256x1024xf32>
    %dot_general3A_113 = tpu.matmul %get3A_108, %get3A_38, %dot_general3A_112 {dimension_numbers = #tpu.dot_dimension_numbers<[1], [0], [0], [1], [0, 0, 1, 1], [], []>, transpose_lhs_hint = false} : vector<256x384xbf16>, vector<384x1024xbf16>, vector<256x1024xf32> -> vector<256x1024xf32>
    %slice3A_114 = vector.extract_strided_slice %dot_general3A_113 {offsets = [0, 0], sizes = [256, 256], strides = [1, 1]} : vector<256x1024xf32> to vector<256x256xf32>
    %slice3A_115 = vector.extract_strided_slice %get3A_45 {offsets = [0], sizes = [256], strides = [1]} : vector<1024xf32> to vector<256xf32>
    %broadcast_in_dim3A_116 = vector.shape_cast %slice3A_115 : vector<256xf32> to vector<1x256xf32>
    %add3A_117 = vector.broadcast %broadcast_in_dim3A_116 : vector<1x256xf32> to vector<256x256xf32>
    %add3A_118 = arith.addf %slice3A_114, %add3A_117 : vector<256x256xf32>
    %tanh3A_119 = math.tanh %add3A_118 : vector<256x256xf32>
    %mul3A_120 = arith.constant 5.000000e-01 : f32
    %mul3A_121 = vector.broadcast %mul3A_120 : f32 to vector<256x256xf32>
    %mul3A_122 = arith.mulf %mul3A_121, %tanh3A_119 : vector<256x256xf32>
    %add3A_123 = arith.constant 5.000000e-01 : f32
    %add3A_124 = vector.broadcast %add3A_123 : f32 to vector<256x256xf32>
    %add3A_125 = arith.addf %mul3A_122, %add3A_124 : vector<256x256xf32>
    %slice3A_126 = vector.extract_strided_slice %dot_general3A_113 {offsets = [0, 256], sizes = [256, 256], strides = [1, 1]} : vector<256x1024xf32> to vector<256x256xf32>
    %slice3A_127 = vector.extract_strided_slice %get3A_45 {offsets = [256], sizes = [256], strides = [1]} : vector<1024xf32> to vector<256xf32>
    %broadcast_in_dim3A_128 = vector.shape_cast %slice3A_127 : vector<256xf32> to vector<1x256xf32>
    %add3A_129 = vector.broadcast %broadcast_in_dim3A_128 : vector<1x256xf32> to vector<256x256xf32>
    %add3A_130 = arith.addf %slice3A_126, %add3A_129 : vector<256x256xf32>
    %tanh3A_131 = math.tanh %add3A_130 : vector<256x256xf32>
    %mul3A_132 = arith.constant 5.000000e-01 : f32
    %mul3A_133 = vector.broadcast %mul3A_132 : f32 to vector<256x256xf32>
    %mul3A_134 = arith.mulf %mul3A_133, %tanh3A_131 : vector<256x256xf32>
    %add3A_135 = arith.constant 5.000000e-01 : f32
    %add3A_136 = vector.broadcast %add3A_135 : f32 to vector<256x256xf32>
    %add3A_137 = arith.addf %mul3A_134, %add3A_136 : vector<256x256xf32>
    %slice3A_138 = vector.extract_strided_slice %dot_general3A_113 {offsets = [0, 512], sizes = [256, 256], strides = [1, 1]} : vector<256x1024xf32> to vector<256x256xf32>
    %slice3A_139 = vector.extract_strided_slice %get3A_45 {offsets = [512], sizes = [256], strides = [1]} : vector<1024xf32> to vector<256xf32>
    %broadcast_in_dim3A_140 = vector.shape_cast %slice3A_139 : vector<256xf32> to vector<1x256xf32>
    %add3A_141 = vector.broadcast %broadcast_in_dim3A_140 : vector<1x256xf32> to vector<256x256xf32>
    %add3A_142 = arith.addf %slice3A_138, %add3A_141 : vector<256x256xf32>
    %tanh3A_143 = math.tanh %add3A_142 : vector<256x256xf32>
    %slice3A_144 = vector.extract_strided_slice %dot_general3A_113 {offsets = [0, 768], sizes = [256, 256], strides = [1, 1]} : vector<256x1024xf32> to vector<256x256xf32>
    %slice3A_145 = vector.extract_strided_slice %get3A_45 {offsets = [768], sizes = [256], strides = [1]} : vector<1024xf32> to vector<256xf32>
    %broadcast_in_dim3A_146 = vector.shape_cast %slice3A_145 : vector<256xf32> to vector<1x256xf32>
    %add3A_147 = vector.broadcast %broadcast_in_dim3A_146 : vector<1x256xf32> to vector<256x256xf32>
    %add3A_148 = arith.addf %slice3A_144, %add3A_147 : vector<256x256xf32>
    %tanh3A_149 = math.tanh %add3A_148 : vector<256x256xf32>
    %mul3A_150 = arith.constant 5.000000e-01 : f32
    %mul3A_151 = vector.broadcast %mul3A_150 : f32 to vector<256x256xf32>
    %mul3A_152 = arith.mulf %mul3A_151, %tanh3A_149 : vector<256x256xf32>
    %add3A_153 = arith.constant 5.000000e-01 : f32
    %add3A_154 = vector.broadcast %add3A_153 : f32 to vector<256x256xf32>
    %add3A_155 = arith.addf %mul3A_152, %add3A_154 : vector<256x256xf32>
    %mul3A_156 = arith.mulf %add3A_137, %get3A_111 : vector<256x256xf32>
    %mul3A_157 = arith.mulf %add3A_125, %tanh3A_143 : vector<256x256xf32>
    %add3A_158 = arith.addf %mul3A_156, %mul3A_157 : vector<256x256xf32>
    %tanh3A_159 = math.tanh %add3A_158 : vector<256x256xf32>
    %mul3A_160 = arith.mulf %add3A_155, %tanh3A_159 : vector<256x256xf32>
    %convert_element_type3A_161 = arith.truncf %mul3A_160 : vector<256x256xf32> to vector<256x256xbf16>
    %swap3A_162 = arith.constant 256 : index
    %swap3A_163 = arith.constant 128 : index
    %swap3A_164 = vector.load %arg10[%swap3A_162, %swap3A_163] : memref<1024x640xbf16, #tpu.memory_space<vmem>>, vector<256x256xbf16>
    tpu.vector_store %arg10[%swap3A_162, %swap3A_163], %convert_element_type3A_161 {strides = array<i32>} : memref<1024x640xbf16, #tpu.memory_space<vmem>>, vector<256x256xbf16>,
    %swap3A_165 = arith.constant 256 : index
    %swap3A_166 = arith.constant 0 : index
    %swap3A_167 = vector.load %arg11[%swap3A_165, %swap3A_166] : memref<1024x256xf32, #tpu.memory_space<vmem>>, vector<256x256xf32>
    tpu.vector_store %arg11[%swap3A_165, %swap3A_166], %add3A_158 {strides = array<i32>} : memref<1024x256xf32, #tpu.memory_space<vmem>>, vector<256x256xf32>,
    %get3A_168 = arith.constant 512 : index
    %get3A_169 = arith.constant 0 : index
    %get3A_170 = vector.load %arg10[%get3A_168, %get3A_169] : memref<1024x640xbf16, #tpu.memory_space<vmem>>, vector<256x384xbf16>
    %get3A_171 = arith.constant 512 : index
    %get3A_172 = arith.constant 0 : index
    %get3A_173 = vector.load %arg11[%get3A_171, %get3A_172] : memref<1024x256xf32, #tpu.memory_space<vmem>>, vector<256x256xf32>
    %dot_general3A_174 = arith.constant dense<0.000000e+00> : vector<256x1024xf32>
    %dot_general3A_175 = tpu.matmul %get3A_170, %get3A_38, %dot_general3A_174 {dimension_numbers = #tpu.dot_dimension_numbers<[1], [0], [0], [1], [0, 0, 1, 1], [], []>, transpose_lhs_hint = false} : vector<256x384xbf16>, vector<384x1024xbf16>, vector<256x1024xf32> -> vector<256x1024xf32>
    %slice3A_176 = vector.extract_strided_slice %dot_general3A_175 {offsets = [0, 0], sizes = [256, 256], strides = [1, 1]} : vector<256x1024xf32> to vector<256x256xf32>
    %slice3A_177 = vector.extract_strided_slice %get3A_45 {offsets = [0], sizes = [256], strides = [1]} : vector<1024xf32> to vector<256xf32>
    %broadcast_in_dim3A_178 = vector.shape_cast %slice3A_177 : vector<256xf32> to vector<1x256xf32>
    %add3A_179 = vector.broadcast %broadcast_in_dim3A_178 : vector<1x256xf32> to vector<256x256xf32>
    %add3A_180 = arith.addf %slice3A_176, %add3A_179 : vector<256x256xf32>
    %tanh3A_181 = math.tanh %add3A_180 : vector<256x256xf32>
    %mul3A_182 = arith.constant 5.000000e-01 : f32
    %mul3A_183 = vector.broadcast %mul3A_182 : f32 to vector<256x256xf32>
    %mul3A_184 = arith.mulf %mul3A_183, %tanh3A_181 : vector<256x256xf32>
    %add3A_185 = arith.constant 5.000000e-01 : f32
    %add3A_186 = vector.broadcast %add3A_185 : f32 to vector<256x256xf32>
    %add3A_187 = arith.addf %mul3A_184, %add3A_186 : vector<256x256xf32>
    %slice3A_188 = vector.extract_strided_slice %dot_general3A_175 {offsets = [0, 256], sizes = [256, 256], strides = [1, 1]} : vector<256x1024xf32> to vector<256x256xf32>
    %slice3A_189 = vector.extract_strided_slice %get3A_45 {offsets = [256], sizes = [256], strides = [1]} : vector<1024xf32> to vector<256xf32>
    %broadcast_in_dim3A_190 = vector.shape_cast %slice3A_189 : vector<256xf32> to vector<1x256xf32>
    %add3A_191 = vector.broadcast %broadcast_in_dim3A_190 : vector<1x256xf32> to vector<256x256xf32>
    %add3A_192 = arith.addf %slice3A_188, %add3A_191 : vector<256x256xf32>
    %tanh3A_193 = math.tanh %add3A_192 : vector<256x256xf32>
    %mul3A_194 = arith.constant 5.000000e-01 : f32
    %mul3A_195 = vector.broadcast %mul3A_194 : f32 to vector<256x256xf32>
    %mul3A_196 = arith.mulf %mul3A_195, %tanh3A_193 : vector<256x256xf32>
    %add3A_197 = arith.constant 5.000000e-01 : f32
    %add3A_198 = vector.broadcast %add3A_197 : f32 to vector<256x256xf32>
    %add3A_199 = arith.addf %mul3A_196, %add3A_198 : vector<256x256xf32>
    %slice3A_200 = vector.extract_strided_slice %dot_general3A_175 {offsets = [0, 512], sizes = [256, 256], strides = [1, 1]} : vector<256x1024xf32> to vector<256x256xf32>
    %slice3A_201 = vector.extract_strided_slice %get3A_45 {offsets = [512], sizes = [256], strides = [1]} : vector<1024xf32> to vector<256xf32>
    %broadcast_in_dim3A_202 = vector.shape_cast %slice3A_201 : vector<256xf32> to vector<1x256xf32>
    %add3A_203 = vector.broadcast %broadcast_in_dim3A_202 : vector<1x256xf32> to vector<256x256xf32>
    %add3A_204 = arith.addf %slice3A_200, %add3A_203 : vector<256x256xf32>
    %tanh3A_205 = math.tanh %add3A_204 : vector<256x256xf32>
    %slice3A_206 = vector.extract_strided_slice %dot_general3A_175 {offsets = [0, 768], sizes = [256, 256], strides = [1, 1]} : vector<256x1024xf32> to vector<256x256xf32>
    %slice3A_207 = vector.extract_strided_slice %get3A_45 {offsets = [768], sizes = [256], strides = [1]} : vector<1024xf32> to vector<256xf32>
    %broadcast_in_dim3A_208 = vector.shape_cast %slice3A_207 : vector<256xf32> to vector<1x256xf32>
    %add3A_209 = vector.broadcast %broadcast_in_dim3A_208 : vector<1x256xf32> to vector<256x256xf32>
    %add3A_210 = arith.addf %slice3A_206, %add3A_209 : vector<256x256xf32>
    %tanh3A_211 = math.tanh %add3A_210 : vector<256x256xf32>
    %mul3A_212 = arith.constant 5.000000e-01 : f32
    %mul3A_213 = vector.broadcast %mul3A_212 : f32 to vector<256x256xf32>
    %mul3A_214 = arith.mulf %mul3A_213, %tanh3A_211 : vector<256x256xf32>
    %add3A_215 = arith.constant 5.000000e-01 : f32
    %add3A_216 = vector.broadcast %add3A_215 : f32 to vector<256x256xf32>
    %add3A_217 = arith.addf %mul3A_214, %add3A_216 : vector<256x256xf32>
    %mul3A_218 = arith.mulf %add3A_199, %get3A_173 : vector<256x256xf32>
    %mul3A_219 = arith.mulf %add3A_187, %tanh3A_205 : vector<256x256xf32>
    %add3A_220 = arith.addf %mul3A_218, %mul3A_219 : vector<256x256xf32>
    %tanh3A_221 = math.tanh %add3A_220 : vector<256x256xf32>
    %mul3A_222 = arith.mulf %add3A_217, %tanh3A_221 : vector<256x256xf32>
    %convert_element_type3A_223 = arith.truncf %mul3A_222 : vector<256x256xf32> to vector<256x256xbf16>
    %swap3A_224 = arith.constant 512 : index
    %swap3A_225 = arith.constant 128 : index
    %swap3A_226 = vector.load %arg10[%swap3A_224, %swap3A_225] : memref<1024x640xbf16, #tpu.memory_space<vmem>>, vector<256x256xbf16>
    tpu.vector_store %arg10[%swap3A_224, %swap3A_225], %convert_element_type3A_223 {strides = array<i32>} : memref<1024x640xbf16, #tpu.memory_space<vmem>>, vector<256x256xbf16>,
    %swap3A_227 = arith.constant 512 : index
    %swap3A_228 = arith.constant 0 : index
    %swap3A_229 = vector.load %arg11[%swap3A_227, %swap3A_228] : memref<1024x256xf32, #tpu.memory_space<vmem>>, vector<256x256xf32>
    tpu.vector_store %arg11[%swap3A_227, %swap3A_228], %add3A_220 {strides = array<i32>} : memref<1024x256xf32, #tpu.memory_space<vmem>>, vector<256x256xf32>,
    %get3A_230 = arith.constant 768 : index
    %get3A_231 = arith.constant 0 : index
    %get3A_232 = vector.load %arg10[%get3A_230, %get3A_231] : memref<1024x640xbf16, #tpu.memory_space<vmem>>, vector<256x384xbf16>
    %get3A_233 = arith.constant 768 : index
    %get3A_234 = arith.constant 0 : index
    %get3A_235 = vector.load %arg11[%get3A_233, %get3A_234] : memref<1024x256xf32, #tpu.memory_space<vmem>>, vector<256x256xf32>
    %dot_general3A_236 = arith.constant dense<0.000000e+00> : vector<256x1024xf32>
    %dot_general3A_237 = tpu.matmul %get3A_232, %get3A_38, %dot_general3A_236 {dimension_numbers = #tpu.dot_dimension_numbers<[1], [0], [0], [1], [0, 0, 1, 1], [], []>, transpose_lhs_hint = false} : vector<256x384xbf16>, vector<384x1024xbf16>, vector<256x1024xf32> -> vector<256x1024xf32>
    %slice3A_238 = vector.extract_strided_slice %dot_general3A_237 {offsets = [0, 0], sizes = [256, 256], strides = [1, 1]} : vector<256x1024xf32> to vector<256x256xf32>
    %slice3A_239 = vector.extract_strided_slice %get3A_45 {offsets = [0], sizes = [256], strides = [1]} : vector<1024xf32> to vector<256xf32>
    %broadcast_in_dim3A_240 = vector.shape_cast %slice3A_239 : vector<256xf32> to vector<1x256xf32>
    %add3A_241 = vector.broadcast %broadcast_in_dim3A_240 : vector<1x256xf32> to vector<256x256xf32>
    %add3A_242 = arith.addf %slice3A_238, %add3A_241 : vector<256x256xf32>
    %tanh3A_243 = math.tanh %add3A_242 : vector<256x256xf32>
    %mul3A_244 = arith.constant 5.000000e-01 : f32
    %mul3A_245 = vector.broadcast %mul3A_244 : f32 to vector<256x256xf32>
    %mul3A_246 = arith.mulf %mul3A_245, %tanh3A_243 : vector<256x256xf32>
    %add3A_247 = arith.constant 5.000000e-01 : f32
    %add3A_248 = vector.broadcast %add3A_247 : f32 to vector<256x256xf32>
    %add3A_249 = arith.addf %mul3A_246, %add3A_248 : vector<256x256xf32>
    %slice3A_250 = vector.extract_strided_slice %dot_general3A_237 {offsets = [0, 256], sizes = [256, 256], strides = [1, 1]} : vector<256x1024xf32> to vector<256x256xf32>
    %slice3A_251 = vector.extract_strided_slice %get3A_45 {offsets = [256], sizes = [256], strides = [1]} : vector<1024xf32> to vector<256xf32>
    %broadcast_in_dim3A_252 = vector.shape_cast %slice3A_251 : vector<256xf32> to vector<1x256xf32>
    %add3A_253 = vector.broadcast %broadcast_in_dim3A_252 : vector<1x256xf32> to vector<256x256xf32>
    %add3A_254 = arith.addf %slice3A_250, %add3A_253 : vector<256x256xf32>
    %tanh3A_255 = math.tanh %add3A_254 : vector<256x256xf32>
    %mul3A_256 = arith.constant 5.000000e-01 : f32
    %mul3A_257 = vector.broadcast %mul3A_256 : f32 to vector<256x256xf32>
    %mul3A_258 = arith.mulf %mul3A_257, %tanh3A_255 : vector<256x256xf32>
    %add3A_259 = arith.constant 5.000000e-01 : f32
    %add3A_260 = vector.broadcast %add3A_259 : f32 to vector<256x256xf32>
    %add3A_261 = arith.addf %mul3A_258, %add3A_260 : vector<256x256xf32>
    %slice3A_262 = vector.extract_strided_slice %dot_general3A_237 {offsets = [0, 512], sizes = [256, 256], strides = [1, 1]} : vector<256x1024xf32> to vector<256x256xf32>
    %slice3A_263 = vector.extract_strided_slice %get3A_45 {offsets = [512], sizes = [256], strides = [1]} : vector<1024xf32> to vector<256xf32>
    %broadcast_in_dim3A_264 = vector.shape_cast %slice3A_263 : vector<256xf32> to vector<1x256xf32>
    %add3A_265 = vector.broadcast %broadcast_in_dim3A_264 : vector<1x256xf32> to vector<256x256xf32>
    %add3A_266 = arith.addf %slice3A_262, %add3A_265 : vector<256x256xf32>
    %tanh3A_267 = math.tanh %add3A_266 : vector<256x256xf32>
    %slice3A_268 = vector.extract_strided_slice %dot_general3A_237 {offsets = [0, 768], sizes = [256, 256], strides = [1, 1]} : vector<256x1024xf32> to vector<256x256xf32>
    %slice3A_269 = vector.extract_strided_slice %get3A_45 {offsets = [768], sizes = [256], strides = [1]} : vector<1024xf32> to vector<256xf32>
    %broadcast_in_dim3A_270 = vector.shape_cast %slice3A_269 : vector<256xf32> to vector<1x256xf32>
    %add3A_271 = vector.broadcast %broadcast_in_dim3A_270 : vector<1x256xf32> to vector<256x256xf32>
    %add3A_272 = arith.addf %slice3A_268, %add3A_271 : vector<256x256xf32>
    %tanh3A_273 = math.tanh %add3A_272 : vector<256x256xf32>
    %mul3A_274 = arith.constant 5.000000e-01 : f32
    %mul3A_275 = vector.broadcast %mul3A_274 : f32 to vector<256x256xf32>
    %mul3A_276 = arith.mulf %mul3A_275, %tanh3A_273 : vector<256x256xf32>
    %add3A_277 = arith.constant 5.000000e-01 : f32
    %add3A_278 = vector.broadcast %add3A_277 : f32 to vector<256x256xf32>
    %add3A_279 = arith.addf %mul3A_276, %add3A_278 : vector<256x256xf32>
    %mul3A_280 = arith.mulf %add3A_261, %get3A_235 : vector<256x256xf32>
    %mul3A_281 = arith.mulf %add3A_249, %tanh3A_267 : vector<256x256xf32>
    %add3A_282 = arith.addf %mul3A_280, %mul3A_281 : vector<256x256xf32>
    %tanh3A_283 = math.tanh %add3A_282 : vector<256x256xf32>
    %mul3A_284 = arith.mulf %add3A_279, %tanh3A_283 : vector<256x256xf32>
    %convert_element_type3A_285 = arith.truncf %mul3A_284 : vector<256x256xf32> to vector<256x256xbf16>
    %swap3A_286 = arith.constant 768 : index
    %swap3A_287 = arith.constant 128 : index
    %swap3A_288 = vector.load %arg10[%swap3A_286, %swap3A_287] : memref<1024x640xbf16, #tpu.memory_space<vmem>>, vector<256x256xbf16>
    tpu.vector_store %arg10[%swap3A_286, %swap3A_287], %convert_element_type3A_285 {strides = array<i32>} : memref<1024x640xbf16, #tpu.memory_space<vmem>>, vector<256x256xbf16>,
    %swap3A_289 = arith.constant 768 : index
    %swap3A_290 = arith.constant 0 : index
    %swap3A_291 = vector.load %arg11[%swap3A_289, %swap3A_290] : memref<1024x256xf32, #tpu.memory_space<vmem>>, vector<256x256xf32>
    tpu.vector_store %arg11[%swap3A_289, %swap3A_290], %add3A_282 {strides = array<i32>} : memref<1024x256xf32, #tpu.memory_space<vmem>>, vector<256x256xf32>,
    %get3A_292 = arith.constant 0 : index
    %get3A_293 = arith.constant 128 : index
    %get3A_294 = vector.load %arg10[%get3A_292, %get3A_293] : memref<1024x640xbf16, #tpu.memory_space<vmem>>, vector<256x512xbf16>
    %get3A_295 = arith.constant 0 : index
    %get3A_296 = arith.constant 0 : index
    %get3A_297 = vector.load %arg12[%get3A_295, %get3A_296] : memref<1024x256xf32, #tpu.memory_space<vmem>>, vector<256x256xf32>
    %dot_general3A_298 = arith.constant dense<0.000000e+00> : vector<256x1024xf32>
    %dot_general3A_299 = tpu.matmul %get3A_294, %get3A_41, %dot_general3A_298 {dimension_numbers = #tpu.dot_dimension_numbers<[1], [0], [0], [1], [0, 0, 1, 1], [], []>, transpose_lhs_hint = false} : vector<256x512xbf16>, vector<512x1024xbf16>, vector<256x1024xf32> -> vector<256x1024xf32>
    %slice3A_300 = vector.extract_strided_slice %dot_general3A_299 {offsets = [0, 0], sizes = [256, 256], strides = [1, 1]} : vector<256x1024xf32> to vector<256x256xf32>
    %slice3A_301 = vector.extract_strided_slice %get3A_49 {offsets = [0], sizes = [256], strides = [1]} : vector<1024xf32> to vector<256xf32>
    %broadcast_in_dim3A_302 = vector.shape_cast %slice3A_301 : vector<256xf32> to vector<1x256xf32>
    %add3A_303 = vector.broadcast %broadcast_in_dim3A_302 : vector<1x256xf32> to vector<256x256xf32>
    %add3A_304 = arith.addf %slice3A_300, %add3A_303 : vector<256x256xf32>
    %tanh3A_305 = math.tanh %add3A_304 : vector<256x256xf32>
    %mul3A_306 = arith.constant 5.000000e-01 : f32
    %mul3A_307 = vector.broadcast %mul3A_306 : f32 to vector<256x256xf32>
    %mul3A_308 = arith.mulf %mul3A_307, %tanh3A_305 : vector<256x256xf32>
    %add3A_309 = arith.constant 5.000000e-01 : f32
    %add3A_310 = vector.broadcast %add3A_309 : f32 to vector<256x256xf32>
    %add3A_311 = arith.addf %mul3A_308, %add3A_310 : vector<256x256xf32>
    %slice3A_312 = vector.extract_strided_slice %dot_general3A_299 {offsets = [0, 256], sizes = [256, 256], strides = [1, 1]} : vector<256x1024xf32> to vector<256x256xf32>
    %slice3A_313 = vector.extract_strided_slice %get3A_49 {offsets = [256], sizes = [256], strides = [1]} : vector<1024xf32> to vector<256xf32>
    %broadcast_in_dim3A_314 = vector.shape_cast %slice3A_313 : vector<256xf32> to vector<1x256xf32>
    %add3A_315 = vector.broadcast %broadcast_in_dim3A_314 : vector<1x256xf32> to vector<256x256xf32>
    %add3A_316 = arith.addf %slice3A_312, %add3A_315 : vector<256x256xf32>
    %tanh3A_317 = math.tanh %add3A_316 : vector<256x256xf32>
    %mul3A_318 = arith.constant 5.000000e-01 : f32
    %mul3A_319 = vector.broadcast %mul3A_318 : f32 to vector<256x256xf32>
    %mul3A_320 = arith.mulf %mul3A_319, %tanh3A_317 : vector<256x256xf32>
    %add3A_321 = arith.constant 5.000000e-01 : f32
    %add3A_322 = vector.broadcast %add3A_321 : f32 to vector<256x256xf32>
    %add3A_323 = arith.addf %mul3A_320, %add3A_322 : vector<256x256xf32>
    %slice3A_324 = vector.extract_strided_slice %dot_general3A_299 {offsets = [0, 512], sizes = [256, 256], strides = [1, 1]} : vector<256x1024xf32> to vector<256x256xf32>
    %slice3A_325 = vector.extract_strided_slice %get3A_49 {offsets = [512], sizes = [256], strides = [1]} : vector<1024xf32> to vector<256xf32>
    %broadcast_in_dim3A_326 = vector.shape_cast %slice3A_325 : vector<256xf32> to vector<1x256xf32>
    %add3A_327 = vector.broadcast %broadcast_in_dim3A_326 : vector<1x256xf32> to vector<256x256xf32>
    %add3A_328 = arith.addf %slice3A_324, %add3A_327 : vector<256x256xf32>
    %tanh3A_329 = math.tanh %add3A_328 : vector<256x256xf32>
    %slice3A_330 = vector.extract_strided_slice %dot_general3A_299 {offsets = [0, 768], sizes = [256, 256], strides = [1, 1]} : vector<256x1024xf32> to vector<256x256xf32>
    %slice3A_331 = vector.extract_strided_slice %get3A_49 {offsets = [768], sizes = [256], strides = [1]} : vector<1024xf32> to vector<256xf32>
    %broadcast_in_dim3A_332 = vector.shape_cast %slice3A_331 : vector<256xf32> to vector<1x256xf32>
    %add3A_333 = vector.broadcast %broadcast_in_dim3A_332 : vector<1x256xf32> to vector<256x256xf32>
    %add3A_334 = arith.addf %slice3A_330, %add3A_333 : vector<256x256xf32>
    %tanh3A_335 = math.tanh %add3A_334 : vector<256x256xf32>
    %mul3A_336 = arith.constant 5.000000e-01 : f32
    %mul3A_337 = vector.broadcast %mul3A_336 : f32 to vector<256x256xf32>
    %mul3A_338 = arith.mulf %mul3A_337, %tanh3A_335 : vector<256x256xf32>
    %add3A_339 = arith.constant 5.000000e-01 : f32
    %add3A_340 = vector.broadcast %add3A_339 : f32 to vector<256x256xf32>
    %add3A_341 = arith.addf %mul3A_338, %add3A_340 : vector<256x256xf32>
    %mul3A_342 = arith.mulf %add3A_323, %get3A_297 : vector<256x256xf32>
    %mul3A_343 = arith.mulf %add3A_311, %tanh3A_329 : vector<256x256xf32>
    %add3A_344 = arith.addf %mul3A_342, %mul3A_343 : vector<256x256xf32>
    %tanh3A_345 = math.tanh %add3A_344 : vector<256x256xf32>
    %mul3A_346 = arith.mulf %add3A_341, %tanh3A_345 : vector<256x256xf32>
    %convert_element_type3A_347 = arith.truncf %mul3A_346 : vector<256x256xf32> to vector<256x256xbf16>
    %swap3A_348 = arith.constant 0 : index
    %swap3A_349 = arith.constant 384 : index
    %swap3A_350 = vector.load %arg10[%swap3A_348, %swap3A_349] : memref<1024x640xbf16, #tpu.memory_space<vmem>>, vector<256x256xbf16>
    tpu.vector_store %arg10[%swap3A_348, %swap3A_349], %convert_element_type3A_347 {strides = array<i32>} : memref<1024x640xbf16, #tpu.memory_space<vmem>>, vector<256x256xbf16>,
    %swap3A_351 = arith.constant 0 : index
    %swap3A_352 = arith.constant 0 : index
    %swap3A_353 = vector.load %arg12[%swap3A_351, %swap3A_352] : memref<1024x256xf32, #tpu.memory_space<vmem>>, vector<256x256xf32>
    tpu.vector_store %arg12[%swap3A_351, %swap3A_352], %add3A_344 {strides = array<i32>} : memref<1024x256xf32, #tpu.memory_space<vmem>>, vector<256x256xf32>,
    %get3A_354 = arith.constant 256 : index
    %get3A_355 = arith.constant 128 : index
    %get3A_356 = vector.load %arg10[%get3A_354, %get3A_355] : memref<1024x640xbf16, #tpu.memory_space<vmem>>, vector<256x512xbf16>
    %get3A_357 = arith.constant 256 : index
    %get3A_358 = arith.constant 0 : index
    %get3A_359 = vector.load %arg12[%get3A_357, %get3A_358] : memref<1024x256xf32, #tpu.memory_space<vmem>>, vector<256x256xf32>
    %dot_general3A_360 = arith.constant dense<0.000000e+00> : vector<256x1024xf32>
    %dot_general3A_361 = tpu.matmul %get3A_356, %get3A_41, %dot_general3A_360 {dimension_numbers = #tpu.dot_dimension_numbers<[1], [0], [0], [1], [0, 0, 1, 1], [], []>, transpose_lhs_hint = false} : vector<256x512xbf16>, vector<512x1024xbf16>, vector<256x1024xf32> -> vector<256x1024xf32>
    %slice3A_362 = vector.extract_strided_slice %dot_general3A_361 {offsets = [0, 0], sizes = [256, 256], strides = [1, 1]} : vector<256x1024xf32> to vector<256x256xf32>
    %slice3A_363 = vector.extract_strided_slice %get3A_49 {offsets = [0], sizes = [256], strides = [1]} : vector<1024xf32> to vector<256xf32>
    %broadcast_in_dim3A_364 = vector.shape_cast %slice3A_363 : vector<256xf32> to vector<1x256xf32>
    %add3A_365 = vector.broadcast %broadcast_in_dim3A_364 : vector<1x256xf32> to vector<256x256xf32>
    %add3A_366 = arith.addf %slice3A_362, %add3A_365 : vector<256x256xf32>
    %tanh3A_367 = math.tanh %add3A_366 : vector<256x256xf32>
    %mul3A_368 = arith.constant 5.000000e-01 : f32
    %mul3A_369 = vector.broadcast %mul3A_368 : f32 to vector<256x256xf32>
    %mul3A_370 = arith.mulf %mul3A_369, %tanh3A_367 : vector<256x256xf32>
    %add3A_371 = arith.constant 5.000000e-01 : f32
    %add3A_372 = vector.broadcast %add3A_371 : f32 to vector<256x256xf32>
    %add3A_373 = arith.addf %mul3A_370, %add3A_372 : vector<256x256xf32>
    %slice3A_374 = vector.extract_strided_slice %dot_general3A_361 {offsets = [0, 256], sizes = [256, 256], strides = [1, 1]} : vector<256x1024xf32> to vector<256x256xf32>
    %slice3A_375 = vector.extract_strided_slice %get3A_49 {offsets = [256], sizes = [256], strides = [1]} : vector<1024xf32> to vector<256xf32>
    %broadcast_in_dim3A_376 = vector.shape_cast %slice3A_375 : vector<256xf32> to vector<1x256xf32>
    %add3A_377 = vector.broadcast %broadcast_in_dim3A_376 : vector<1x256xf32> to vector<256x256xf32>
    %add3A_378 = arith.addf %slice3A_374, %add3A_377 : vector<256x256xf32>
    %tanh3A_379 = math.tanh %add3A_378 : vector<256x256xf32>
    %mul3A_380 = arith.constant 5.000000e-01 : f32
    %mul3A_381 = vector.broadcast %mul3A_380 : f32 to vector<256x256xf32>
    %mul3A_382 = arith.mulf %mul3A_381, %tanh3A_379 : vector<256x256xf32>
    %add3A_383 = arith.constant 5.000000e-01 : f32
    %add3A_384 = vector.broadcast %add3A_383 : f32 to vector<256x256xf32>
    %add3A_385 = arith.addf %mul3A_382, %add3A_384 : vector<256x256xf32>
    %slice3A_386 = vector.extract_strided_slice %dot_general3A_361 {offsets = [0, 512], sizes = [256, 256], strides = [1, 1]} : vector<256x1024xf32> to vector<256x256xf32>
    %slice3A_387 = vector.extract_strided_slice %get3A_49 {offsets = [512], sizes = [256], strides = [1]} : vector<1024xf32> to vector<256xf32>
    %broadcast_in_dim3A_388 = vector.shape_cast %slice3A_387 : vector<256xf32> to vector<1x256xf32>
    %add3A_389 = vector.broadcast %broadcast_in_dim3A_388 : vector<1x256xf32> to vector<256x256xf32>
    %add3A_390 = arith.addf %slice3A_386, %add3A_389 : vector<256x256xf32>
    %tanh3A_391 = math.tanh %add3A_390 : vector<256x256xf32>
    %slice3A_392 = vector.extract_strided_slice %dot_general3A_361 {offsets = [0, 768], sizes = [256, 256], strides = [1, 1]} : vector<256x1024xf32> to vector<256x256xf32>
    %slice3A_393 = vector.extract_strided_slice %get3A_49 {offsets = [768], sizes = [256], strides = [1]} : vector<1024xf32> to vector<256xf32>
    %broadcast_in_dim3A_394 = vector.shape_cast %slice3A_393 : vector<256xf32> to vector<1x256xf32>
    %add3A_395 = vector.broadcast %broadcast_in_dim3A_394 : vector<1x256xf32> to vector<256x256xf32>
    %add3A_396 = arith.addf %slice3A_392, %add3A_395 : vector<256x256xf32>
    %tanh3A_397 = math.tanh %add3A_396 : vector<256x256xf32>
    %mul3A_398 = arith.constant 5.000000e-01 : f32
    %mul3A_399 = vector.broadcast %mul3A_398 : f32 to vector<256x256xf32>
    %mul3A_400 = arith.mulf %mul3A_399, %tanh3A_397 : vector<256x256xf32>
    %add3A_401 = arith.constant 5.000000e-01 : f32
    %add3A_402 = vector.broadcast %add3A_401 : f32 to vector<256x256xf32>
    %add3A_403 = arith.addf %mul3A_400, %add3A_402 : vector<256x256xf32>
    %mul3A_404 = arith.mulf %add3A_385, %get3A_359 : vector<256x256xf32>
    %mul3A_405 = arith.mulf %add3A_373, %tanh3A_391 : vector<256x256xf32>
    %add3A_406 = arith.addf %mul3A_404, %mul3A_405 : vector<256x256xf32>
    %tanh3A_407 = math.tanh %add3A_406 : vector<256x256xf32>
    %mul3A_408 = arith.mulf %add3A_403, %tanh3A_407 : vector<256x256xf32>
    %convert_element_type3A_409 = arith.truncf %mul3A_408 : vector<256x256xf32> to vector<256x256xbf16>
    %swap3A_410 = arith.constant 256 : index
    %swap3A_411 = arith.constant 384 : index
    %swap3A_412 = vector.load %arg10[%swap3A_410, %swap3A_411] : memref<1024x640xbf16, #tpu.memory_space<vmem>>, vector<256x256xbf16>
    tpu.vector_store %arg10[%swap3A_410, %swap3A_411], %convert_element_type3A_409 {strides = array<i32>} : memref<1024x640xbf16, #tpu.memory_space<vmem>>, vector<256x256xbf16>,
    %swap3A_413 = arith.constant 256 : index
    %swap3A_414 = arith.constant 0 : index
    %swap3A_415 = vector.load %arg12[%swap3A_413, %swap3A_414] : memref<1024x256xf32, #tpu.memory_space<vmem>>, vector<256x256xf32>
    tpu.vector_store %arg12[%swap3A_413, %swap3A_414], %add3A_406 {strides = array<i32>} : memref<1024x256xf32, #tpu.memory_space<vmem>>, vector<256x256xf32>,
    %get3A_416 = arith.constant 512 : index
    %get3A_417 = arith.constant 128 : index
    %get3A_418 = vector.load %arg10[%get3A_416, %get3A_417] : memref<1024x640xbf16, #tpu.memory_space<vmem>>, vector<256x512xbf16>
    %get3A_419 = arith.constant 512 : index
    %get3A_420 = arith.constant 0 : index
    %get3A_421 = vector.load %arg12[%get3A_419, %get3A_420] : memref<1024x256xf32, #tpu.memory_space<vmem>>, vector<256x256xf32>
    %dot_general3A_422 = arith.constant dense<0.000000e+00> : vector<256x1024xf32>
    %dot_general3A_423 = tpu.matmul %get3A_418, %get3A_41, %dot_general3A_422 {dimension_numbers = #tpu.dot_dimension_numbers<[1], [0], [0], [1], [0, 0, 1, 1], [], []>, transpose_lhs_hint = false} : vector<256x512xbf16>, vector<512x1024xbf16>, vector<256x1024xf32> -> vector<256x1024xf32>
    %slice3A_424 = vector.extract_strided_slice %dot_general3A_423 {offsets = [0, 0], sizes = [256, 256], strides = [1, 1]} : vector<256x1024xf32> to vector<256x256xf32>
    %slice3A_425 = vector.extract_strided_slice %get3A_49 {offsets = [0], sizes = [256], strides = [1]} : vector<1024xf32> to vector<256xf32>
    %broadcast_in_dim3A_426 = vector.shape_cast %slice3A_425 : vector<256xf32> to vector<1x256xf32>
    %add3A_427 = vector.broadcast %broadcast_in_dim3A_426 : vector<1x256xf32> to vector<256x256xf32>
    %add3A_428 = arith.addf %slice3A_424, %add3A_427 : vector<256x256xf32>
    %tanh3A_429 = math.tanh %add3A_428 : vector<256x256xf32>
    %mul3A_430 = arith.constant 5.000000e-01 : f32
    %mul3A_431 = vector.broadcast %mul3A_430 : f32 to vector<256x256xf32>
    %mul3A_432 = arith.mulf %mul3A_431, %tanh3A_429 : vector<256x256xf32>
    %add3A_433 = arith.constant 5.000000e-01 : f32
    %add3A_434 = vector.broadcast %add3A_433 : f32 to vector<256x256xf32>
    %add3A_435 = arith.addf %mul3A_432, %add3A_434 : vector<256x256xf32>
    %slice3A_436 = vector.extract_strided_slice %dot_general3A_423 {offsets = [0, 256], sizes = [256, 256], strides = [1, 1]} : vector<256x1024xf32> to vector<256x256xf32>
    %slice3A_437 = vector.extract_strided_slice %get3A_49 {offsets = [256], sizes = [256], strides = [1]} : vector<1024xf32> to vector<256xf32>
    %broadcast_in_dim3A_438 = vector.shape_cast %slice3A_437 : vector<256xf32> to vector<1x256xf32>
    %add3A_439 = vector.broadcast %broadcast_in_dim3A_438 : vector<1x256xf32> to vector<256x256xf32>
    %add3A_440 = arith.addf %slice3A_436, %add3A_439 : vector<256x256xf32>
    %tanh3A_441 = math.tanh %add3A_440 : vector<256x256xf32>
    %mul3A_442 = arith.constant 5.000000e-01 : f32
    %mul3A_443 = vector.broadcast %mul3A_442 : f32 to vector<256x256xf32>
    %mul3A_444 = arith.mulf %mul3A_443, %tanh3A_441 : vector<256x256xf32>
    %add3A_445 = arith.constant 5.000000e-01 : f32
    %add3A_446 = vector.broadcast %add3A_445 : f32 to vector<256x256xf32>
    %add3A_447 = arith.addf %mul3A_444, %add3A_446 : vector<256x256xf32>
    %slice3A_448 = vector.extract_strided_slice %dot_general3A_423 {offsets = [0, 512], sizes = [256, 256], strides = [1, 1]} : vector<256x1024xf32> to vector<256x256xf32>
    %slice3A_449 = vector.extract_strided_slice %get3A_49 {offsets = [512], sizes = [256], strides = [1]} : vector<1024xf32> to vector<256xf32>
    %broadcast_in_dim3A_450 = vector.shape_cast %slice3A_449 : vector<256xf32> to vector<1x256xf32>
    %add3A_451 = vector.broadcast %broadcast_in_dim3A_450 : vector<1x256xf32> to vector<256x256xf32>
    %add3A_452 = arith.addf %slice3A_448, %add3A_451 : vector<256x256xf32>
    %tanh3A_453 = math.tanh %add3A_452 : vector<256x256xf32>
    %slice3A_454 = vector.extract_strided_slice %dot_general3A_423 {offsets = [0, 768], sizes = [256, 256], strides = [1, 1]} : vector<256x1024xf32> to vector<256x256xf32>
    %slice3A_455 = vector.extract_strided_slice %get3A_49 {offsets = [768], sizes = [256], strides = [1]} : vector<1024xf32> to vector<256xf32>
    %broadcast_in_dim3A_456 = vector.shape_cast %slice3A_455 : vector<256xf32> to vector<1x256xf32>
    %add3A_457 = vector.broadcast %broadcast_in_dim3A_456 : vector<1x256xf32> to vector<256x256xf32>
    %add3A_458 = arith.addf %slice3A_454, %add3A_457 : vector<256x256xf32>
    %tanh3A_459 = math.tanh %add3A_458 : vector<256x256xf32>
    %mul3A_460 = arith.constant 5.000000e-01 : f32
    %mul3A_461 = vector.broadcast %mul3A_460 : f32 to vector<256x256xf32>
    %mul3A_462 = arith.mulf %mul3A_461, %tanh3A_459 : vector<256x256xf32>
    %add3A_463 = arith.constant 5.000000e-01 : f32
    %add3A_464 = vector.broadcast %add3A_463 : f32 to vector<256x256xf32>
    %add3A_465 = arith.addf %mul3A_462, %add3A_464 : vector<256x256xf32>
    %mul3A_466 = arith.mulf %add3A_447, %get3A_421 : vector<256x256xf32>
    %mul3A_467 = arith.mulf %add3A_435, %tanh3A_453 : vector<256x256xf32>
    %add3A_468 = arith.addf %mul3A_466, %mul3A_467 : vector<256x256xf32>
    %tanh3A_469 = math.tanh %add3A_468 : vector<256x256xf32>
    %mul3A_470 = arith.mulf %add3A_465, %tanh3A_469 : vector<256x256xf32>
    %convert_element_type3A_471 = arith.truncf %mul3A_470 : vector<256x256xf32> to vector<256x256xbf16>
    %swap3A_472 = arith.constant 512 : index
    %swap3A_473 = arith.constant 384 : index
    %swap3A_474 = vector.load %arg10[%swap3A_472, %swap3A_473] : memref<1024x640xbf16, #tpu.memory_space<vmem>>, vector<256x256xbf16>
    tpu.vector_store %arg10[%swap3A_472, %swap3A_473], %convert_element_type3A_471 {strides = array<i32>} : memref<1024x640xbf16, #tpu.memory_space<vmem>>, vector<256x256xbf16>,
    %swap3A_475 = arith.constant 512 : index
    %swap3A_476 = arith.constant 0 : index
    %swap3A_477 = vector.load %arg12[%swap3A_475, %swap3A_476] : memref<1024x256xf32, #tpu.memory_space<vmem>>, vector<256x256xf32>
    tpu.vector_store %arg12[%swap3A_475, %swap3A_476], %add3A_468 {strides = array<i32>} : memref<1024x256xf32, #tpu.memory_space<vmem>>, vector<256x256xf32>,
    %get3A_478 = arith.constant 768 : index
    %get3A_479 = arith.constant 128 : index
    %get3A_480 = vector.load %arg10[%get3A_478, %get3A_479] : memref<1024x640xbf16, #tpu.memory_space<vmem>>, vector<256x512xbf16>
    %get3A_481 = arith.constant 768 : index
    %get3A_482 = arith.constant 0 : index
    %get3A_483 = vector.load %arg12[%get3A_481, %get3A_482] : memref<1024x256xf32, #tpu.memory_space<vmem>>, vector<256x256xf32>
    %dot_general3A_484 = arith.constant dense<0.000000e+00> : vector<256x1024xf32>
    %dot_general3A_485 = tpu.matmul %get3A_480, %get3A_41, %dot_general3A_484 {dimension_numbers = #tpu.dot_dimension_numbers<[1], [0], [0], [1], [0, 0, 1, 1], [], []>, transpose_lhs_hint = false} : vector<256x512xbf16>, vector<512x1024xbf16>, vector<256x1024xf32> -> vector<256x1024xf32>
    %slice3A_486 = vector.extract_strided_slice %dot_general3A_485 {offsets = [0, 0], sizes = [256, 256], strides = [1, 1]} : vector<256x1024xf32> to vector<256x256xf32>
    %slice3A_487 = vector.extract_strided_slice %get3A_49 {offsets = [0], sizes = [256], strides = [1]} : vector<1024xf32> to vector<256xf32>
    %broadcast_in_dim3A_488 = vector.shape_cast %slice3A_487 : vector<256xf32> to vector<1x256xf32>
    %add3A_489 = vector.broadcast %broadcast_in_dim3A_488 : vector<1x256xf32> to vector<256x256xf32>
    %add3A_490 = arith.addf %slice3A_486, %add3A_489 : vector<256x256xf32>
    %tanh3A_491 = math.tanh %add3A_490 : vector<256x256xf32>
    %mul3A_492 = arith.constant 5.000000e-01 : f32
    %mul3A_493 = vector.broadcast %mul3A_492 : f32 to vector<256x256xf32>
    %mul3A_494 = arith.mulf %mul3A_493, %tanh3A_491 : vector<256x256xf32>
    %add3A_495 = arith.constant 5.000000e-01 : f32
    %add3A_496 = vector.broadcast %add3A_495 : f32 to vector<256x256xf32>
    %add3A_497 = arith.addf %mul3A_494, %add3A_496 : vector<256x256xf32>
    %slice3A_498 = vector.extract_strided_slice %dot_general3A_485 {offsets = [0, 256], sizes = [256, 256], strides = [1, 1]} : vector<256x1024xf32> to vector<256x256xf32>
    %slice3A_499 = vector.extract_strided_slice %get3A_49 {offsets = [256], sizes = [256], strides = [1]} : vector<1024xf32> to vector<256xf32>
    %broadcast_in_dim3A_500 = vector.shape_cast %slice3A_499 : vector<256xf32> to vector<1x256xf32>
    %add3A_501 = vector.broadcast %broadcast_in_dim3A_500 : vector<1x256xf32> to vector<256x256xf32>
    %add3A_502 = arith.addf %slice3A_498, %add3A_501 : vector<256x256xf32>
    %tanh3A_503 = math.tanh %add3A_502 : vector<256x256xf32>
    %mul3A_504 = arith.constant 5.000000e-01 : f32
    %mul3A_505 = vector.broadcast %mul3A_504 : f32 to vector<256x256xf32>
    %mul3A_506 = arith.mulf %mul3A_505, %tanh3A_503 : vector<256x256xf32>
    %add3A_507 = arith.constant 5.000000e-01 : f32
    %add3A_508 = vector.broadcast %add3A_507 : f32 to vector<256x256xf32>
    %add3A_509 = arith.addf %mul3A_506, %add3A_508 : vector<256x256xf32>
    %slice3A_510 = vector.extract_strided_slice %dot_general3A_485 {offsets = [0, 512], sizes = [256, 256], strides = [1, 1]} : vector<256x1024xf32> to vector<256x256xf32>
    %slice3A_511 = vector.extract_strided_slice %get3A_49 {offsets = [512], sizes = [256], strides = [1]} : vector<1024xf32> to vector<256xf32>
    %broadcast_in_dim3A_512 = vector.shape_cast %slice3A_511 : vector<256xf32> to vector<1x256xf32>
    %add3A_513 = vector.broadcast %broadcast_in_dim3A_512 : vector<1x256xf32> to vector<256x256xf32>
    %add3A_514 = arith.addf %slice3A_510, %add3A_513 : vector<256x256xf32>
    %tanh3A_515 = math.tanh %add3A_514 : vector<256x256xf32>
    %slice3A_516 = vector.extract_strided_slice %dot_general3A_485 {offsets = [0, 768], sizes = [256, 256], strides = [1, 1]} : vector<256x1024xf32> to vector<256x256xf32>
    %slice3A_517 = vector.extract_strided_slice %get3A_49 {offsets = [768], sizes = [256], strides = [1]} : vector<1024xf32> to vector<256xf32>
    %broadcast_in_dim3A_518 = vector.shape_cast %slice3A_517 : vector<256xf32> to vector<1x256xf32>
    %add3A_519 = vector.broadcast %broadcast_in_dim3A_518 : vector<1x256xf32> to vector<256x256xf32>
    %add3A_520 = arith.addf %slice3A_516, %add3A_519 : vector<256x256xf32>
    %tanh3A_521 = math.tanh %add3A_520 : vector<256x256xf32>
    %mul3A_522 = arith.constant 5.000000e-01 : f32
    %mul3A_523 = vector.broadcast %mul3A_522 : f32 to vector<256x256xf32>
    %mul3A_524 = arith.mulf %mul3A_523, %tanh3A_521 : vector<256x256xf32>
    %add3A_525 = arith.constant 5.000000e-01 : f32
    %add3A_526 = vector.broadcast %add3A_525 : f32 to vector<256x256xf32>
    %add3A_527 = arith.addf %mul3A_524, %add3A_526 : vector<256x256xf32>
    %mul3A_528 = arith.mulf %add3A_509, %get3A_483 : vector<256x256xf32>
    %mul3A_529 = arith.mulf %add3A_497, %tanh3A_515 : vector<256x256xf32>
    %add3A_530 = arith.addf %mul3A_528, %mul3A_529 : vector<256x256xf32>
    %tanh3A_531 = math.tanh %add3A_530 : vector<256x256xf32>
    %mul3A_532 = arith.mulf %add3A_527, %tanh3A_531 : vector<256x256xf32>
    %convert_element_type3A_533 = arith.truncf %mul3A_532 : vector<256x256xf32> to vector<256x256xbf16>
    %swap3A_534 = arith.constant 768 : index
    %swap3A_535 = arith.constant 384 : index
    %swap3A_536 = vector.load %arg10[%swap3A_534, %swap3A_535] : memref<1024x640xbf16, #tpu.memory_space<vmem>>, vector<256x256xbf16>
    tpu.vector_store %arg10[%swap3A_534, %swap3A_535], %convert_element_type3A_533 {strides = array<i32>} : memref<1024x640xbf16, #tpu.memory_space<vmem>>, vector<256x256xbf16>,
    %swap3A_537 = arith.constant 768 : index
    %swap3A_538 = arith.constant 0 : index
    %swap3A_539 = vector.load %arg12[%swap3A_537, %swap3A_538] : memref<1024x256xf32, #tpu.memory_space<vmem>>, vector<256x256xf32>
    tpu.vector_store %arg12[%swap3A_537, %swap3A_538], %add3A_530 {strides = array<i32>} : memref<1024x256xf32, #tpu.memory_space<vmem>>, vector<256x256xf32>,
    %eq3A_540 = arith.constant 39 : i32
    %eq3A_541 = arith.cmpi eq, %arg0, %eq3A_540 : i32
    %convert_element_type3A_542 = arith.extui %eq3A_541 : i1 to i32
    %cond3A_543 = arith.constant 0 : i32
    %cond3A_544 = arith.cmpi ne, %convert_element_type3A_542, %cond3A_543 : i32
    scf.if %cond3A_544 {
      %swap3A_545 = arith.constant 0 : index
      %swap3A_546 = arith.constant 0 : index
      %swap3A_547 = arith.constant 0 : index
      %swap3A_548 = vector.load %arg8[%swap3A_545, %swap3A_546, %swap3A_547] : memref<2x1024x256xf32, #tpu.memory_space<vmem>>, vector<1x256x256xf32>
      %swap3A_549 = vector.shape_cast %swap3A_548 : vector<1x256x256xf32> to vector<256x256xf32>
      %swap3A_550 = vector.shape_cast %mul3A_98 : vector<256x256xf32> to vector<1x256x256xf32>
      tpu.vector_store %arg8[%swap3A_545, %swap3A_546, %swap3A_547], %swap3A_550 {strides = array<i32>} : memref<2x1024x256xf32, #tpu.memory_space<vmem>>, vector<1x256x256xf32>,
      %swap3A_551 = arith.constant 1 : index
      %swap3A_552 = arith.constant 0 : index
      %swap3A_553 = arith.constant 0 : index
      %swap3A_554 = vector.load %arg8[%swap3A_551, %swap3A_552, %swap3A_553] : memref<2x1024x256xf32, #tpu.memory_space<vmem>>, vector<1x256x256xf32>
      %swap3A_555 = vector.shape_cast %swap3A_554 : vector<1x256x256xf32> to vector<256x256xf32>
      %swap3A_556 = vector.shape_cast %mul3A_346 : vector<256x256xf32> to vector<1x256x256xf32>
      tpu.vector_store %arg8[%swap3A_551, %swap3A_552, %swap3A_553], %swap3A_556 {strides = array<i32>} : memref<2x1024x256xf32, #tpu.memory_space<vmem>>, vector<1x256x256xf32>,
      %swap3A_557 = arith.constant 0 : index
      %swap3A_558 = arith.constant 0 : index
      %swap3A_559 = arith.constant 0 : index
      %swap3A_560 = vector.load %arg9[%swap3A_557, %swap3A_558, %swap3A_559] : memref<2x1024x256xf32, #tpu.memory_space<vmem>>, vector<1x256x256xf32>
      %swap3A_561 = vector.shape_cast %swap3A_560 : vector<1x256x256xf32> to vector<256x256xf32>
      %swap3A_562 = vector.shape_cast %add3A_96 : vector<256x256xf32> to vector<1x256x256xf32>
      tpu.vector_store %arg9[%swap3A_557, %swap3A_558, %swap3A_559], %swap3A_562 {strides = array<i32>} : memref<2x1024x256xf32, #tpu.memory_space<vmem>>, vector<1x256x256xf32>,
      %swap3A_563 = arith.constant 1 : index
      %swap3A_564 = arith.constant 0 : index
      %swap3A_565 = arith.constant 0 : index
      %swap3A_566 = vector.load %arg9[%swap3A_563, %swap3A_564, %swap3A_565] : memref<2x1024x256xf32, #tpu.memory_space<vmem>>, vector<1x256x256xf32>
      %swap3A_567 = vector.shape_cast %swap3A_566 : vector<1x256x256xf32> to vector<256x256xf32>
      %swap3A_568 = vector.shape_cast %add3A_344 : vector<256x256xf32> to vector<1x256x256xf32>
      tpu.vector_store %arg9[%swap3A_563, %swap3A_564, %swap3A_565], %swap3A_568 {strides = array<i32>} : memref<2x1024x256xf32, #tpu.memory_space<vmem>>, vector<1x256x256xf32>,
      %swap3A_569 = arith.constant 0 : index
      %swap3A_570 = arith.constant 256 : index
      %swap3A_571 = arith.constant 0 : index
      %swap3A_572 = vector.load %arg8[%swap3A_569, %swap3A_570, %swap3A_571] : memref<2x1024x256xf32, #tpu.memory_space<vmem>>, vector<1x256x256xf32>
      %swap3A_573 = vector.shape_cast %swap3A_572 : vector<1x256x256xf32> to vector<256x256xf32>
      %swap3A_574 = vector.shape_cast %mul3A_160 : vector<256x256xf32> to vector<1x256x256xf32>
      tpu.vector_store %arg8[%swap3A_569, %swap3A_570, %swap3A_571], %swap3A_574 {strides = array<i32>} : memref<2x1024x256xf32, #tpu.memory_space<vmem>>, vector<1x256x256xf32>,
      %swap3A_575 = arith.constant 1 : index
      %swap3A_576 = arith.constant 256 : index
      %swap3A_577 = arith.constant 0 : index
      %swap3A_578 = vector.load %arg8[%swap3A_575, %swap3A_576, %swap3A_577] : memref<2x1024x256xf32, #tpu.memory_space<vmem>>, vector<1x256x256xf32>
      %swap3A_579 = vector.shape_cast %swap3A_578 : vector<1x256x256xf32> to vector<256x256xf32>
      %swap3A_580 = vector.shape_cast %mul3A_408 : vector<256x256xf32> to vector<1x256x256xf32>
      tpu.vector_store %arg8[%swap3A_575, %swap3A_576, %swap3A_577], %swap3A_580 {strides = array<i32>} : memref<2x1024x256xf32, #tpu.memory_space<vmem>>, vector<1x256x256xf32>,
      %swap3A_581 = arith.constant 0 : index
      %swap3A_582 = arith.constant 256 : index
      %swap3A_583 = arith.constant 0 : index
      %swap3A_584 = vector.load %arg9[%swap3A_581, %swap3A_582, %swap3A_583] : memref<2x1024x256xf32, #tpu.memory_space<vmem>>, vector<1x256x256xf32>
      %swap3A_585 = vector.shape_cast %swap3A_584 : vector<1x256x256xf32> to vector<256x256xf32>
      %swap3A_586 = vector.shape_cast %add3A_158 : vector<256x256xf32> to vector<1x256x256xf32>
      tpu.vector_store %arg9[%swap3A_581, %swap3A_582, %swap3A_583], %swap3A_586 {strides = array<i32>} : memref<2x1024x256xf32, #tpu.memory_space<vmem>>, vector<1x256x256xf32>,
      %swap3A_587 = arith.constant 1 : index
      %swap3A_588 = arith.constant 256 : index
      %swap3A_589 = arith.constant 0 : index
      %swap3A_590 = vector.load %arg9[%swap3A_587, %swap3A_588, %swap3A_589] : memref<2x1024x256xf32, #tpu.memory_space<vmem>>, vector<1x256x256xf32>
      %swap3A_591 = vector.shape_cast %swap3A_590 : vector<1x256x256xf32> to vector<256x256xf32>
      %swap3A_592 = vector.shape_cast %add3A_406 : vector<256x256xf32> to vector<1x256x256xf32>
      tpu.vector_store %arg9[%swap3A_587, %swap3A_588, %swap3A_589], %swap3A_592 {strides = array<i32>} : memref<2x1024x256xf32, #tpu.memory_space<vmem>>, vector<1x256x256xf32>,
      %swap3A_593 = arith.constant 0 : index
      %swap3A_594 = arith.constant 512 : index
      %swap3A_595 = arith.constant 0 : index
      %swap3A_596 = vector.load %arg8[%swap3A_593, %swap3A_594, %swap3A_595] : memref<2x1024x256xf32, #tpu.memory_space<vmem>>, vector<1x256x256xf32>
      %swap3A_597 = vector.shape_cast %swap3A_596 : vector<1x256x256xf32> to vector<256x256xf32>
      %swap3A_598 = vector.shape_cast %mul3A_222 : vector<256x256xf32> to vector<1x256x256xf32>
      tpu.vector_store %arg8[%swap3A_593, %swap3A_594, %swap3A_595], %swap3A_598 {strides = array<i32>} : memref<2x1024x256xf32, #tpu.memory_space<vmem>>, vector<1x256x256xf32>,
      %swap3A_599 = arith.constant 1 : index
      %swap3A_600 = arith.constant 512 : index
      %swap3A_601 = arith.constant 0 : index
      %swap3A_602 = vector.load %arg8[%swap3A_599, %swap3A_600, %swap3A_601] : memref<2x1024x256xf32, #tpu.memory_space<vmem>>, vector<1x256x256xf32>
      %swap3A_603 = vector.shape_cast %swap3A_602 : vector<1x256x256xf32> to vector<256x256xf32>
      %swap3A_604 = vector.shape_cast %mul3A_470 : vector<256x256xf32> to vector<1x256x256xf32>
      tpu.vector_store %arg8[%swap3A_599, %swap3A_600, %swap3A_601], %swap3A_604 {strides = array<i32>} : memref<2x1024x256xf32, #tpu.memory_space<vmem>>, vector<1x256x256xf32>,
      %swap3A_605 = arith.constant 0 : index
      %swap3A_606 = arith.constant 512 : index
      %swap3A_607 = arith.constant 0 : index
      %swap3A_608 = vector.load %arg9[%swap3A_605, %swap3A_606, %swap3A_607] : memref<2x1024x256xf32, #tpu.memory_space<vmem>>, vector<1x256x256xf32>
      %swap3A_609 = vector.shape_cast %swap3A_608 : vector<1x256x256xf32> to vector<256x256xf32>
      %swap3A_610 = vector.shape_cast %add3A_220 : vector<256x256xf32> to vector<1x256x256xf32>
      tpu.vector_store %arg9[%swap3A_605, %swap3A_606, %swap3A_607], %swap3A_610 {strides = array<i32>} : memref<2x1024x256xf32, #tpu.memory_space<vmem>>, vector<1x256x256xf32>,
      %swap3A_611 = arith.constant 1 : index
      %swap3A_612 = arith.constant 512 : index
      %swap3A_613 = arith.constant 0 : index
      %swap3A_614 = vector.load %arg9[%swap3A_611, %swap3A_612, %swap3A_613] : memref<2x1024x256xf32, #tpu.memory_space<vmem>>, vector<1x256x256xf32>
      %swap3A_615 = vector.shape_cast %swap3A_614 : vector<1x256x256xf32> to vector<256x256xf32>
      %swap3A_616 = vector.shape_cast %add3A_468 : vector<256x256xf32> to vector<1x256x256xf32>
      tpu.vector_store %arg9[%swap3A_611, %swap3A_612, %swap3A_613], %swap3A_616 {strides = array<i32>} : memref<2x1024x256xf32, #tpu.memory_space<vmem>>, vector<1x256x256xf32>,
      %swap3A_617 = arith.constant 0 : index
      %swap3A_618 = arith.constant 768 : index
      %swap3A_619 = arith.constant 0 : index
      %swap3A_620 = vector.load %arg8[%swap3A_617, %swap3A_618, %swap3A_619] : memref<2x1024x256xf32, #tpu.memory_space<vmem>>, vector<1x256x256xf32>
      %swap3A_621 = vector.shape_cast %swap3A_620 : vector<1x256x256xf32> to vector<256x256xf32>
      %swap3A_622 = vector.shape_cast %mul3A_284 : vector<256x256xf32> to vector<1x256x256xf32>
      tpu.vector_store %arg8[%swap3A_617, %swap3A_618, %swap3A_619], %swap3A_622 {strides = array<i32>} : memref<2x1024x256xf32, #tpu.memory_space<vmem>>, vector<1x256x256xf32>,
      %swap3A_623 = arith.constant 1 : index
      %swap3A_624 = arith.constant 768 : index
      %swap3A_625 = arith.constant 0 : index
      %swap3A_626 = vector.load %arg8[%swap3A_623, %swap3A_624, %swap3A_625] : memref<2x1024x256xf32, #tpu.memory_space<vmem>>, vector<1x256x256xf32>
      %swap3A_627 = vector.shape_cast %swap3A_626 : vector<1x256x256xf32> to vector<256x256xf32>
      %swap3A_628 = vector.shape_cast %mul3A_532 : vector<256x256xf32> to vector<1x256x256xf32>
      tpu.vector_store %arg8[%swap3A_623, %swap3A_624, %swap3A_625], %swap3A_628 {strides = array<i32>} : memref<2x1024x256xf32, #tpu.memory_space<vmem>>, vector<1x256x256xf32>,
      %swap3A_629 = arith.constant 0 : index
      %swap3A_630 = arith.constant 768 : index
      %swap3A_631 = arith.constant 0 : index
      %swap3A_632 = vector.load %arg9[%swap3A_629, %swap3A_630, %swap3A_631] : memref<2x1024x256xf32, #tpu.memory_space<vmem>>, vector<1x256x256xf32>
      %swap3A_633 = vector.shape_cast %swap3A_632 : vector<1x256x256xf32> to vector<256x256xf32>
      %swap3A_634 = vector.shape_cast %add3A_282 : vector<256x256xf32> to vector<1x256x256xf32>
      tpu.vector_store %arg9[%swap3A_629, %swap3A_630, %swap3A_631], %swap3A_634 {strides = array<i32>} : memref<2x1024x256xf32, #tpu.memory_space<vmem>>, vector<1x256x256xf32>,
      %swap3A_635 = arith.constant 1 : index
      %swap3A_636 = arith.constant 768 : index
      %swap3A_637 = arith.constant 0 : index
      %swap3A_638 = vector.load %arg9[%swap3A_635, %swap3A_636, %swap3A_637] : memref<2x1024x256xf32, #tpu.memory_space<vmem>>, vector<1x256x256xf32>
      %swap3A_639 = vector.shape_cast %swap3A_638 : vector<1x256x256xf32> to vector<256x256xf32>
      %swap3A_640 = vector.shape_cast %add3A_530 : vector<256x256xf32> to vector<1x256x256xf32>
      tpu.vector_store %arg9[%swap3A_635, %swap3A_636, %swap3A_637], %swap3A_640 {strides = array<i32>} : memref<2x1024x256xf32, #tpu.memory_space<vmem>>, vector<1x256x256xf32>,
    } else {
    }
    return
  }
  func.func @transform_0(%arg0: i32) -> (i32, i32, i32) {
    %c0_i32 = arith.constant 0 : i32
    %c0_i32_0 = arith.constant 0 : i32
    %c0_i32_1 = arith.constant 0 : i32
    return %arg0, %c0_i32, %c0_i32_0 : i32, i32, i32
  }
  func.func @transform_1(%arg0: i32) -> (i32, i32) {
    %c0_i32 = arith.constant 0 : i32
    %c0_i32_0 = arith.constant 0 : i32
    %c0_i32_1 = arith.constant 0 : i32
    return %c0_i32, %c0_i32_0 : i32, i32
  }
  func.func @transform_2(%arg0: i32) -> (i32, i32) {
    %c0_i32 = arith.constant 0 : i32
    %c0_i32_0 = arith.constant 0 : i32
    %c0_i32_1 = arith.constant 0 : i32
    return %c0_i32, %c0_i32_0 : i32, i32
  }
  func.func @transform_3(%arg0: i32) -> (i32, i32) {
    %c0_i32 = arith.constant 0 : i32
    %c0_i32_0 = arith.constant 0 : i32
    %c0_i32_1 = arith.constant 0 : i32
    return %c0_i32, %c0_i32_0 : i32, i32
  }
  func.func @transform_4(%arg0: i32) -> (i32, i32) {
    %c0_i32 = arith.constant 0 : i32
    %c0_i32_0 = arith.constant 0 : i32
    %c0_i32_1 = arith.constant 0 : i32
    return %c0_i32, %c0_i32_0 : i32, i32
  }
  func.func @transform_5(%arg0: i32) -> (i32, i32, i32) {
    %c0_i32 = arith.constant 0 : i32
    %c0_i32_0 = arith.constant 0 : i32
    %c0_i32_1 = arith.constant 0 : i32
    %c0_i32_2 = arith.constant 0 : i32
    return %c0_i32, %c0_i32_0, %c0_i32_1 : i32, i32, i32
  }
  func.func @transform_6(%arg0: i32) -> (i32, i32, i32) {
    %c0_i32 = arith.constant 0 : i32
    %c0_i32_0 = arith.constant 0 : i32
    %c0_i32_1 = arith.constant 0 : i32
    %c0_i32_2 = arith.constant 0 : i32
    return %c0_i32, %c0_i32_0, %c0_i32_1 : i32, i32, i32
  }
  func.func @transform_7(%arg0: i32) -> (i32, i32, i32) {
    %c0_i32 = arith.constant 0 : i32
    %c0_i32_0 = arith.constant 0 : i32
    %c0_i32_1 = arith.constant 0 : i32
    %c0_i32_2 = arith.constant 0 : i32
    return %c0_i32, %c0_i32_0, %c0_i32_1 : i32, i32, i32
  }
  func.func @transform_8(%arg0: i32) -> (i32, i32, i32) {
    %c0_i32 = arith.constant 0 : i32
    %c0_i32_0 = arith.constant 0 : i32
    %c0_i32_1 = arith.constant 0 : i32
    %c0_i32_2 = arith.constant 0 : i32
    return %c0_i32, %c0_i32_0, %c0_i32_1 : i32, i32, i32
  }
}

</mosaic_0001>

<sc_bundles>
// kernel: kernel.6.cloned.1.call-start
scs
__scs_entry_jumppad:
0x0: {  	(pc) =	sbr.rel $0x88, $3  }
0x1: {  	(tag) =	ssettag $0x0;
	lr =	simm.s32 $0x1  }
0x2: {  	[smem:$0x3F97] =	sst lr;
	_ =	strace $0xD0000000  }
0x3: {  	_ = 	snop  }
0x4: {  	_ = 	snop  }
0x5: {  	_ = 	snop  }
0x6: {  	_ = 	snop  }
0x7: {  	_ = 	snop  }
__scs_overlays_trampoline_lowered:
0x8: {  	[smem:$0x3FA6] =	sst s0  }
0x9: {  	[smem:$0x3FA7] =	sst s1  }
0xa: {  	[smem:$0x3FA8] =	sst s2  }
0xb: {  	[smem:$0x3FA9] =	sst s3  }
0xc: {  	[smem:$0x3FAA] =	sst s4  }
0xd: {  	[smem:$0x3FAB] =	sst s5  }
0xe: {  	[smem:$0x3FAC] =	sst s6  }
0xf: {  	[smem:$0x3FAD] =	sst s7  }
0x10: {  	[smem:$0x3FAE] =	sst s8  }
0x11: {  	[smem:$0x3FAF] =	sst s9;
	s0 =	simm.s32 @!p0 $0x0  }
0x12: {  	s1 =	sld [smem:$0x3F95];
	s0 =	simm.s32 @p0 $0x1  }
0x13: {  	[smem:$0x3FB0] =	sst s0;
	s0 =	simm.s32 @!p1 $0x0  }
0x14: {  	s2 =	sld [smem:$0x3F94];
	s0 =	simm.s32 @p1 $0x1  }
0x15: {  	[smem:$0x3FB1] =	sst s0;
	s0 =	simm.s32 @!p2 $0x0  }
0x16: {  	s3 =	sld [smem:$0x3FDB];
	s0 =	simm.s32 @p2 $0x1  }
0x17: {  	s4 =	simm.s32 $0x1BF5;
	[smem:$0x3FB3] =	sst s0  }
0x18: {  	s0 =	sld [smem:$0x3F96];
	_ =	swait.ge [sflag:s4], $0x0  }
0x19: {  	s7 =	sld [smem:$0x3F97]  }
0x1a: {  	s8 =	sadd.s32 $0xFFFFE003, lr  }
0x1b: {  	s9 =	sadd.s32 $0xFFFFFEF7, lr;
	s5 =	simm.s32 $0xFFFFFFFF;
	p2 =	slt.u32 s8, $0xFFFFF086  }
0x1c: {  	p1 =	slt.u32 s9, $0xF7A;
	s5 =	simm.s32 @!p2 $0x0  }
0x1d: {  	s5 =	simm.s32 @p1 $0x1;
	p0 =	seq.s32 s7, s2  }
0x1e: {  	s7 =	smul.u32 @!p0 $0xF7A, s2;
	p2 =	seq.s32 @!p0 s5, $0x0  }
0x1f: {  	s9 =	smul.u32 $0xF7A, s1;
	s8 =	simm.s32 @!p0 $0x1BF5;
	p2 =	por !p2, p0  }
0x20: {  	[sflag:s8] =	ssyncset.s32 @!p0 $0xFFFFF086;
	s6 =	sadd.s32 @!p0 s3, s7;
	s7 =	simm.s32 @!p0 $0x108  }
0x21: {  	s3 =	sadd.s32 s3, s9;
	s6 =	sadd.s32 @!p0 $0x88, s6;
	s7 =	simm.s32 @p2 $0x1082  }
0x22: {  	[simem:s7], [sflag:s8] =	dma.local @!p0 [hbm:s6], $0xF7A  }
0x23: {  	s9 =	sor.u32 $0xD0000000, s2;
	s6 =	simm.s32 $0x108;
	_ =	swait.ge @!p0 [sflag:s8], $0x0  }
0x24: {  	s3 =	sadd.s32 $0x88, s3;
	s6 =	simm.s32 @!p1 $0x1082;
	[sflag:s4] =	ssyncset.s32 $0xFFFFF086  }
0x25: {  	[simem:s6], [sflag:s4] =	dma.local [hbm:s3], $0xF7A  }
0x26: {  	[smem:$0x3F97] =	sst s1;
	(tag) =	ssettag s2;
	_ =	strace s9  }
0x27: {  	s1 =	sld [smem:$0x3FA7]  }
0x28: {  	s2 =	sld [smem:$0x3FA8]  }
0x29: {  	s4 =	sld [smem:$0x3FAA]  }
0x2a: {  	p0 =	seq.s32 s5, $0x0;
	s5 =	sld [smem:$0x3FAB]  }
0x2b: {  	s6 =	sld [smem:$0x3FAC]  }
0x2c: {  	s7 =	sld [smem:$0x3FAD]  }
0x2d: {  	s3 =	simm.s32 $0x108;
	s8 =	sld [smem:$0x3FAE]  }
0x2e: {  	s3 =	simm.s32 @!p0 $0x1082;
	s9 =	sld [smem:$0x3FAF]  }
0x2f: {  	lr =	sadd.s32 s0, s3;
	s0 =	sld [smem:$0x3FA6]  }
0x30: {  	s3 =	sld [smem:$0x3FA9]  }
0x31: {  	[smem:$0x3FB2] =	sst s10  }
0x32: {  	s10 =	sld [smem:$0x3FB0];
	_ =	sdelay $0x3  }
0x33: {  	p0 =	seq.s32 s10, $0x1;
	s10 =	sld [smem:$0x3FB2];
	_ =	sdelay $0x3  }
0x34: {  	[smem:$0x3FB2] =	sst s10  }
0x35: {  	s10 =	sld [smem:$0x3FB1];
	_ =	sdelay $0x3  }
0x36: {  	p1 =	seq.s32 s10, $0x1;
	s10 =	sld [smem:$0x3FB2];
	_ =	sdelay $0x3  }
0x37: {  	[smem:$0x3FB2] =	sst s10  }
0x38: {  	s10 =	sld [smem:$0x3FB3]  }
0x39: {  	_ = 	snop;
	(pc) =	sbr.ind lr, $3  }
0x3a: {  	_ = 	snop  }
0x3b: {  	_ = 	snop  }
0x3c: {  	p2 =	seq.s32 s10, $0x1;
	s10 =	sld [smem:$0x3FB2]  }
0x3d: {  	_ =	shalt  }
0x3e: {  	_ =	shalt  }
0x3f: {  	_ =	shalt  }
0x40: {  	_ =	shalt  }
0x41: {  	_ =	shalt  }
0x42: {  	_ =	shalt  }
0x43: {  	_ =	shalt  }
0x44: {  	_ =	shalt  }
0x45: {  	_ =	shalt  }
0x46: {  	_ =	shalt  }
0x47: {  	_ =	shalt  }
0x48: {  	_ =	shalt  }
0x49: {  	_ =	shalt  }
0x4a: {  	_ =	shalt  }
0x4b: {  	_ =	shalt  }
0x4c: {  	_ =	shalt  }
0x4d: {  	_ =	shalt  }
0x4e: {  	_ =	shalt  }
0x4f: {  	_ =	shalt  }
0x50: {  	_ =	shalt  }
0x51: {  	_ =	shalt  }
0x52: {  	_ =	shalt  }
0x53: {  	_ =	shalt  }
0x54: {  	_ =	shalt  }
0x55: {  	_ =	shalt  }
0x56: {  	_ =	shalt  }
0x57: {  	_ =	shalt  }
0x58: {  	_ =	shalt  }
0x59: {  	_ =	shalt  }
0x5a: {  	_ =	shalt  }
0x5b: {  	_ =	shalt  }
0x5c: {  	_ =	shalt  }
0x5d: {  	_ =	shalt  }
0x5e: {  	_ =	shalt  }
0x5f: {  	_ =	shalt  }
0x60: {  	_ =	shalt  }
0x61: {  	_ =	shalt  }
0x62: {  	_ =	shalt  }
0x63: {  	_ =	shalt  }
0x64: {  	_ =	shalt  }
0x65: {  	_ =	shalt  }
0x66: {  	_ =	shalt  }
0x67: {  	_ =	shalt  }
0x68: {  	_ =	shalt  }
0x69: {  	_ =	shalt  }
0x6a: {  	_ =	shalt  }
0x6b: {  	_ =	shalt  }
0x6c: {  	_ =	shalt  }
0x6d: {  	_ =	shalt  }
0x6e: {  	_ =	shalt  }
0x6f: {  	_ =	shalt  }
0x70: {  	_ =	shalt  }
0x71: {  	_ =	shalt  }
0x72: {  	_ =	shalt  }
0x73: {  	_ =	shalt  }
0x74: {  	_ =	shalt  }
0x75: {  	_ =	shalt  }
0x76: {  	_ =	shalt  }
0x77: {  	_ =	shalt  }
0x78: {  	_ =	shalt  }
0x79: {  	_ =	shalt  }
0x7a: {  	_ =	shalt  }
0x7b: {  	_ =	shalt  }
0x7c: {  	_ =	shalt  }
0x7d: {  	_ =	shalt  }
0x7e: {  	_ =	shalt  }
0x7f: {  	_ =	shalt  }
0x80: {  	_ =	shalt  }
0x81: {  	_ =	shalt  }
0x82: {  	_ =	shalt  }
0x83: {  	_ =	shalt  }
0x84: {  	_ =	shalt  }
0x85: {  	_ =	shalt  }
0x86: {  	_ =	shalt  }
0x87: {  	_ =	shalt  }
.Lfunc_end0:
.L_simem_size_0:
called_computation_lowered:
.L_overlay_start_0:
0x88: {  	s2 =	sld [smem:$0x3FD9]  }
0x89: {  	s3 =	sld [smem:$0x3FFE];
	_ =	sdelay $0x1  }
0x8a: {  	s1 =	srdreg.scid  }
0x8b: {  	s0 =	sand.u32 $0x1, s1  }
0x8c: {  	s14 =	sshll.u32 s0, $0xA;
	s2 =	sadd.s32 s3, s2  }
0x8d: {  	s2 =	sadd.s32 s2, s14  }
0x8e: {  	[smem:$0x3FBE] =	sst s2  }
0x8f: {  	_ = 	snop  }
0x90: {  	s2 =	sld [smem:$0x3FD0];
	_ =	sdelay $0x2  }
0x91: {  	s4 =	simm.s32 $0xB;
	s5 =	simm.s32 $0x10;
	s15 =	sld [smem:$0x3FC9]  }
0x92: {  	[smem:s5], [sflag:s4] =	dma.local [hbm:s2], $0x1  }
0x93: {  	_ =	swait.eq [sflag:s4], $0x1  }
0x94: {  	[sflag:s4] =	ssyncset.done $0x0  }
0x95: {  	[sflag:s4] =	ssyncadd.s32 $0xFFFFFFFF  }
0x96: {  	s16 =	sld [smem:$0x10];
	(tm) =	ssettm $0x1  }
0x97: {  	s17 =	sld [smem:$0x3FFB];
	_ =	sdelay $0x3  }
0x98: {  	_ =	strace s17  }
0x99: {  	s4 =	sld [smem:$0x3FFC];
	_ =	sdelay $0x3  }
0x9a: {  	_ =	strace s4  }
0x9b: {  	s4 =	sld [smem:$0x3FFD];
	_ =	sdelay $0x3  }
0x9c: {  	_ =	strace s4  }
0x9d: {  	_ =	strace $0x8FFFFFFF  }
0x9e: {  	s18 =	sld [smem:$0x3FDB];
	_ =	sdelay $0x1  }
0x9f: {  	s19 =	simm.s32 $_scs_section_size  }
0xa0: {  	s6 =	simm.s32 $_size__tile_overlayer_lowered;
	s7 =	simm.s32 $_tile_overlayer_lowered  }
0xa1: {  	s22 =	simm.s32 $0x1BFF;
	s21 =	sshll.u32 s7, $0x1;
	s4 =	sadd.s32 s19, s18  }
0xa2: {  	s8 =	simm.s32 $0x0;
	s20 =	sshll.u32 s6, $0x1;
	s6 =	sadd.s32 s21, s4  }
0xa3: {  	[timem:s8], [sflag:s22] =	dma.local [hbm:s6], s20  }
0xa4: {  	_ =	swait.ge [sflag:s22], s20  }
0xa5: {  	s5 =	ssub.s32 $0x0, s20;
	[sflag:s22] =	ssyncset.done $0x0  }
0xa6: {  	[sflag:s22] =	ssyncadd.s32 s5;
	_ =	sdelay $0x1  }
0xa7: {  	s23 =	simm.s32 $0x1B8B  }
0xa8: {  	_ =	swait.ge [sflag:s23], $0x1  }
0xa9: {  	[sflag:s23] =	ssyncset.done $0x0  }
0xaa: {  	s25 =	simm.s32 $0x1B8E;
	s24 =	sld [smem:$0x3FFE];
	[sflag:s23] =	ssyncadd.s32 $0xFFFFFFFF  }
0xab: {  	s26 =	simm.s32 $execute0_lowered;
	[smem:$0x3FD2] =	sst s25  }
0xac: {  	s6 =	sshll.u32 s26, $0x1;
	_ =	strace $0x80000046;
	[dreg:$0x1] =	wrdreg $0xFFFFFFFF  }
0xad: {  	s28 =	simm.s32 $_size_execute0_lowered;
	s4 =	sadd.s32 s4, s6;
	[dreg:$0x0] =	wrdreg $0x0  }
0xae: {  	s6 =	sshll.u32 s28, $0x1;
	[dreg:$0x2] =	wrdreg s4  }
0xaf: {  	[dreg:$0x3] =	wrdreg s6  }
0xb0: {  	[dreg:$0x4] =	wrdreg $0xC0  }
0xb1: {  	_ =	task [dreg:s8], $0x5FFFF  }
0xb2: {  	[dreg:$0x1] =	wrdreg $0xFFFFFFFF  }
0xb3: {  	[dreg:$0x0] =	wrdreg $0x60  }
0xb4: {  	[dreg:$0x2] =	wrdreg s15  }
0xb5: {  	[dreg:$0x3] =	wrdreg s16  }
0xb6: {  	[dreg:$0x4] =	wrdreg s24  }
0xb7: {  	[dreg:$0x5] =	wrdreg $0x9  }
0xb8: {  	_ =	task.clear_ibuf [dreg:s8], $0x6FFFF;
	_ =	strace $0x90000046  }
0xb9: {  	s29 =	simm.s32 $0x9;
	_ =	strace $0x80000048  }
0xba: {  	_ =	swait.ge [sflag:s29], $0x1  }
0xbb: {  	[sflag:s29] =	ssyncadd.s32 $0xFFFFFFFF  }
0xbc: {  	_ =	strace $0x90000048  }
0xbd: {  	_ =	sfence  }
0xbe: {  	s30 =	sld [smem:$0x0];
	_ =	sdelay $0x2  }
0xbf: {  	s31 =	sshll.u32 s1, $0xD;
	s1 =	sshrl.u32 s1, $0x2  }
0xc0: {  	s3 =	sand.u32 $0x4000, s31;
	s1 =	sadd.s32 s1, s30  }
0xc1: {  	s0 =	sor.u32 s3, s0;
	s1 =	sshll.u32 s1, $0x11  }
0xc2: {  	s0 =	sor.u32 s1, s0  }
0xc3: {  	s0 =	sadd.s32 $0x8F2B, s0  }
0xc4: {  	[sflag:s0] =	ssyncadd.remote.s32 $0x1  }
0xc5: {  	_ =	sfence.sel $0xFFFF  }
0xc6: {  	[dreg:$0x0] =	wrdreg $0xFFFFFFFF;
	(pc) =	sbr.abs _section_cstart, $3  }
0xc7: {  	[dreg:$0x1] =	wrdreg $0xFFFFFFFF  }
0xc8: {  	_ =	task.clear_ibuf [dreg:s8], $0x2FFFF;
	_ =	strace $0x9FFFFFFF  }
0xc9: {  	(tm) =	ssettm $0x7FFFFFFF  }
tec
execute0_lowered:
.L_overlay_start_1:
0x0: {  	(tag) =	ssettag $0x1  }
0x1: {  	s1 =	rddreg [dreg:$0x0]  }
0x2: {  	s2 =	srdreg.scid;
	s0 =	stileid.u32  }
0x3: {  	s4 =	rddreg [dreg:$0x1];
	s16 =	sand.u32 $0x1, s2;
	s28 =	sshll.u32 s0, $0x1  }
0x4: {  	s14 =	rddreg [dreg:$0x2];
	s3 =	simm.s32 $0x0;
	s15 =	sor.u32 s16, s28  }
0x5: {  	s7 =	simm.s32 $0x5;
	s5 =	sshll.u32 s0, $0x7;
	s6 =	sshll.u32 s15, $0x5  }
0x6: {  	[smem:$0x7FF] =	sst s3;
	s5 =	sand.u32 $0x700, s5;
	s6 =	sand.u32 $0x60, s6  }
0x7: {  	s2 =	rddreg [dreg:$0x3];
	_ =	strace $0x80000047;
	s5 =	sor.u32 s5, s6  }
0x8: {  	s6 =	simm.s32 $0x400;
	s4 =	sadd.s32 s4, s5;
	s5 =	simm.s32 $0x80  }
0x9: {  	[tilespmem:s3], [sflag:$0x5] =	stream.strided.gather [hbm4b:s4+s5], $0x100, s6, s5, $0x38;
	[tilespmem:$0xA200] =	vst v63  }
0xa: {  	_ =	swait.ge [sflag:s7], $0x100  }
0xb: {  	[sflag:s7] =	ssyncset.done $0x0  }
0xc: {  	s8 =	simm.s32 $0xA0;
	s9 =	simm.s32 $0x200;
	[sflag:s7] =	ssyncadd.s32 $0xFFFFFF00  }
0xd: {  	[tilespmem:s9], [sflag:$0x1] =	stream.indirect.gather [hbm4b:s1+s8], $0x80, s3, s8, $0xb8;
	[tilespmem:$0xA200] =	vst v63  }
0xe: {  	s11 =	simm.s32 $0x100;
	s10 =	sadd.s32 $0x10, s4  }
0xf: {  	[tilespmem:s11], [sflag:$0x5] =	stream.strided.gather [hbm4b:s10+s5], $0x100, s6, s5, $0x38;
	[tilespmem:$0xA200] =	vst v63  }
0x10: {  	_ =	swait.ge [sflag:s7], $0x100  }
0x11: {  	s12 =	simm.s32 $0x5200;
	s13 =	simm.s32 $0x1;
	[sflag:s7] =	ssyncset.done $0x0  }
0x12: {  	s18 =	sadd.s32 $0x2200, s14;
	s17 =	smul.u32 $0x1400, s15;
	[sflag:s7] =	ssyncadd.s32 $0xFFFFFF00  }
0x13: {  	[tilespmem:s12], [sflag:$0x2] =	stream.indirect.gather [hbm4b:s1+s8], $0x80, s11, s8, $0xb8;
	[tilespmem:$0xA200] =	vst v63  }
0x14: {  	s19 =	ssub.s32 $0x2, s16;
	s29 =	smul.u32 $0xA000, s15;
	_ =	swait.ge [sflag:s13], $0x5000  }
0x15: {  	s15 =	simm.s32 $0x2;
	s31 =	sshrl.u32 s19, $0x1;
	[sflag:s13] =	ssyncset.done $0x0  }
0x16: {  	s14 =	sadd.s32 s18, s17;
	s17 =	sshrl.u32 s29, $0x3;
	[sflag:s13] =	ssyncadd.s32 $0xFFFFB000  }
0x17: {  	[hbm4b:s14+s3] =	stream.linear.scatter [tilespmem:s9], [sflag:$0x3], $0x5000, $0x38;
	[tilespmem:$0xA200] =	vst v63  }
0x18: {  	s30 =	sadd.s32 s18, s17;
	s18 =	ssub.s32 s19, s31;
	_ =	swait.ge [sflag:s15], $0x5000  }
0x19: {  	s17 =	simm.s32 $0x4;
	s19 =	smax.u32 s18, $0x1;
	[sflag:s15] =	ssyncset.done $0x0  }
0x1a: {  	s16 =	sadd.s32 $0xA00, s30;
	p0 =	sne.s32 s19, $0x1;
	[sflag:s15] =	ssyncadd.s32 $0xFFFFB000  }
0x1b: {  	[hbm4b:s16+s3] =	stream.linear.scatter [tilespmem:s12], [sflag:$0x4], $0x5000, $0x38;
	[tilespmem:$0xA200] =	vst v63  }
.Ltmp0:
0x1c: {  	_ =	swait.ge [sflag:s17], $0x5000;
	(pc) =	sbr.rel @!p0 .LBB2_2-.Ltmp0, $4  }
0x1d: {  	[sflag:s17] =	ssyncset.done $0x0  }
0x1e: {  	s18 =	simm.s32 $0x3;
	[sflag:s17] =	ssyncadd.s32 $0xFFFFB000  }
0x1f: {  	_ =	swait.ge [sflag:s18], $0x5000  }
0x20: {  	s19 =	sadd.s32 $0xFFFFFFFF, s19;
	[sflag:s18] =	ssyncset.done $0x0  }
.LBB2_1:
0x21: {  	p0 =	sne.s32 s19, $0x1;
	s19 =	sadd.s32 $0xFFFFFFFF, s19;
	[sflag:s18] =	ssyncadd.s32 $0xFFFFB000  }
0x22: {  	[tilespmem:s3], [sflag:$0x5] =	stream.strided.gather [hbm4b:s4+s5], $0x100, s6, s5, $0x38;
	[tilespmem:$0xA200] =	vst v63  }
0x23: {  	_ =	swait.ge [sflag:s7], $0x100  }
0x24: {  	[sflag:s7] =	ssyncset.done $0x0  }
0x25: {  	[sflag:s7] =	ssyncadd.s32 $0xFFFFFF00  }
0x26: {  	[tilespmem:s9], [sflag:$0x1] =	stream.indirect.gather [hbm4b:s1+s8], $0x80, s3, s8, $0xb8;
	[tilespmem:$0xA200] =	vst v63  }
0x27: {  	_ = 	snop  }
0x28: {  	[tilespmem:s11], [sflag:$0x5] =	stream.strided.gather [hbm4b:s10+s5], $0x100, s6, s5, $0x38;
	[tilespmem:$0xA200] =	vst v63  }
0x29: {  	_ =	swait.ge [sflag:s7], $0x100  }
0x2a: {  	[sflag:s7] =	ssyncset.done $0x0  }
0x2b: {  	[sflag:s7] =	ssyncadd.s32 $0xFFFFFF00  }
0x2c: {  	[tilespmem:s12], [sflag:$0x2] =	stream.indirect.gather [hbm4b:s1+s8], $0x80, s11, s8, $0xb8;
	[tilespmem:$0xA200] =	vst v63  }
0x2d: {  	_ =	swait.ge [sflag:s13], $0x5000  }
0x2e: {  	[sflag:s13] =	ssyncset.done $0x0  }
0x2f: {  	[sflag:s13] =	ssyncadd.s32 $0xFFFFB000  }
0x30: {  	[hbm4b:s14+s3] =	stream.linear.scatter [tilespmem:s9], [sflag:$0x3], $0x5000, $0x38;
	[tilespmem:$0xA200] =	vst v63  }
0x31: {  	_ =	swait.ge [sflag:s15], $0x5000  }
0x32: {  	[sflag:s15] =	ssyncset.done $0x0  }
0x33: {  	[sflag:s15] =	ssyncadd.s32 $0xFFFFB000  }
0x34: {  	[hbm4b:s16+s3] =	stream.linear.scatter [tilespmem:s12], [sflag:$0x4], $0x5000, $0x38;
	[tilespmem:$0xA200] =	vst v63  }
.Ltmp1:
0x35: {  	_ =	swait.ge [sflag:s17], $0x5000;
	(pc) =	sbr.rel @p0 .LBB2_1-.Ltmp1, $4  }
0x36: {  	[sflag:s17] =	ssyncset.done $0x0  }
0x37: {  	[sflag:s17] =	ssyncadd.s32 $0xFFFFB000  }
0x38: {  	_ =	swait.ge [sflag:s18], $0x5000  }
0x39: {  	[sflag:s18] =	ssyncset.done $0x0  }
.LBB2_2:
0x3a: {  	[sflag:s18] =	ssyncadd.s32 $0xFFFFB000  }
0x3b: {  	_ =	sfence.sel $0x180000  }
0x3c: {  	[bflag:$0x0] =	sbarrier.arrive $0xFFFF  }
0x3d: {  	p0 =	sne.s32 s0, $0x0;
	_ =	strace $0x90000047  }
0x3e: {  	s0 =	sadd.s32 @!p0 $0x100000, s2;
	[bflag:$0x2] =	sbarrier.arrive $0xFFFF  }
0x3f: {  	[sflag:s0] =	ssyncadd.tile.s32 @!p0 $0x1;
	_ =	shalt  }
.Lfunc_end2:
_tile_overlayer_lowered:
.L_overlay_start_2:
0x40: {  	(tag) =	ssettag $0x2  }
0x41: {  	s0 =	rddreg [dreg:$0x0];
	s2 =	stileid.u32  }
0x42: {  	s1 =	rddreg [dreg:$0x1];
	p0 =	sne.s32 s2, $0x0  }
0x43: {  	s3 =	rddreg [dreg:$0x2];
	[bflag:$0x3] =	sbarrier.arrive $0xFFFF;
	s2 =	simm.s32 @!p0 $0x1C05  }
0x44: {  	[timem:s3], [sflag:s2] =	dma.local @!p0 [hbm:s0], s1  }
0x45: {  	s0 =	simm.s32 @!p0 $0x5  }
0x46: {  	_ =	swait.ge @!p0 [sflag:s0], s1  }
0x47: {  	s1 =	ssub.s32 @!p0 $0x0, s1;
	[sflag:s0] =	ssyncset.done @!p0 $0x0  }
0x48: {  	[sflag:s0] =	ssyncadd.s32 @!p0 s1  }
0x49: {  	[bflag:$0x3] =	sbarrier.arrive $0xFFFF  }
0x4a: {  	_ =	shalt  }

// kernel: kernel.9.cloned.1.call-start
scs
__scs_entry_jumppad:
0x0: {  	(pc) =	sbr.rel $0x88, $3  }
0x1: {  	(tag) =	ssettag $0x0;
	lr =	simm.s32 $0x1  }
0x2: {  	[smem:$0x3F97] =	sst lr;
	_ =	strace $0xD0000000  }
0x3: {  	_ = 	snop  }
0x4: {  	_ = 	snop  }
0x5: {  	_ = 	snop  }
0x6: {  	_ = 	snop  }
0x7: {  	_ = 	snop  }
__scs_overlays_trampoline_lowered:
0x8: {  	[smem:$0x3FA6] =	sst s0  }
0x9: {  	[smem:$0x3FA7] =	sst s1  }
0xa: {  	[smem:$0x3FA8] =	sst s2  }
0xb: {  	[smem:$0x3FA9] =	sst s3  }
0xc: {  	[smem:$0x3FAA] =	sst s4  }
0xd: {  	[smem:$0x3FAB] =	sst s5  }
0xe: {  	[smem:$0x3FAC] =	sst s6  }
0xf: {  	[smem:$0x3FAD] =	sst s7  }
0x10: {  	[smem:$0x3FAE] =	sst s8  }
0x11: {  	[smem:$0x3FAF] =	sst s9;
	s0 =	simm.s32 @!p0 $0x0  }
0x12: {  	s1 =	sld [smem:$0x3F95];
	s0 =	simm.s32 @p0 $0x1  }
0x13: {  	[smem:$0x3FB0] =	sst s0;
	s0 =	simm.s32 @!p1 $0x0  }
0x14: {  	s2 =	sld [smem:$0x3F94];
	s0 =	simm.s32 @p1 $0x1  }
0x15: {  	[smem:$0x3FB1] =	sst s0;
	s0 =	simm.s32 @!p2 $0x0  }
0x16: {  	s3 =	sld [smem:$0x3FDB];
	s0 =	simm.s32 @p2 $0x1  }
0x17: {  	s4 =	simm.s32 $0x1BF5;
	[smem:$0x3FB3] =	sst s0  }
0x18: {  	s0 =	sld [smem:$0x3F96];
	_ =	swait.ge [sflag:s4], $0x0  }
0x19: {  	s7 =	sld [smem:$0x3F97]  }
0x1a: {  	s8 =	sadd.s32 $0xFFFFE003, lr  }
0x1b: {  	s9 =	sadd.s32 $0xFFFFFEF7, lr;
	s5 =	simm.s32 $0xFFFFFFFF;
	p2 =	slt.u32 s8, $0xFFFFF086  }
0x1c: {  	p1 =	slt.u32 s9, $0xF7A;
	s5 =	simm.s32 @!p2 $0x0  }
0x1d: {  	s5 =	simm.s32 @p1 $0x1;
	p0 =	seq.s32 s7, s2  }
0x1e: {  	s7 =	smul.u32 @!p0 $0xF7A, s2;
	p2 =	seq.s32 @!p0 s5, $0x0  }
0x1f: {  	s9 =	smul.u32 $0xF7A, s1;
	s8 =	simm.s32 @!p0 $0x1BF5;
	p2 =	por !p2, p0  }
0x20: {  	[sflag:s8] =	ssyncset.s32 @!p0 $0xFFFFF086;
	s6 =	sadd.s32 @!p0 s3, s7;
	s7 =	simm.s32 @!p0 $0x108  }
0x21: {  	s3 =	sadd.s32 s3, s9;
	s6 =	sadd.s32 @!p0 $0x88, s6;
	s7 =	simm.s32 @p2 $0x1082  }
0x22: {  	[simem:s7], [sflag:s8] =	dma.local @!p0 [hbm:s6], $0xF7A  }
0x23: {  	s9 =	sor.u32 $0xD0000000, s2;
	s6 =	simm.s32 $0x108;
	_ =	swait.ge @!p0 [sflag:s8], $0x0  }
0x24: {  	s3 =	sadd.s32 $0x88, s3;
	s6 =	simm.s32 @!p1 $0x1082;
	[sflag:s4] =	ssyncset.s32 $0xFFFFF086  }
0x25: {  	[simem:s6], [sflag:s4] =	dma.local [hbm:s3], $0xF7A  }
0x26: {  	[smem:$0x3F97] =	sst s1;
	(tag) =	ssettag s2;
	_ =	strace s9  }
0x27: {  	s1 =	sld [smem:$0x3FA7]  }
0x28: {  	s2 =	sld [smem:$0x3FA8]  }
0x29: {  	s4 =	sld [smem:$0x3FAA]  }
0x2a: {  	p0 =	seq.s32 s5, $0x0;
	s5 =	sld [smem:$0x3FAB]  }
0x2b: {  	s6 =	sld [smem:$0x3FAC]  }
0x2c: {  	s7 =	sld [smem:$0x3FAD]  }
0x2d: {  	s3 =	simm.s32 $0x108;
	s8 =	sld [smem:$0x3FAE]  }
0x2e: {  	s3 =	simm.s32 @!p0 $0x1082;
	s9 =	sld [smem:$0x3FAF]  }
0x2f: {  	lr =	sadd.s32 s0, s3;
	s0 =	sld [smem:$0x3FA6]  }
0x30: {  	s3 =	sld [smem:$0x3FA9]  }
0x31: {  	[smem:$0x3FB2] =	sst s10  }
0x32: {  	s10 =	sld [smem:$0x3FB0];
	_ =	sdelay $0x3  }
0x33: {  	p0 =	seq.s32 s10, $0x1;
	s10 =	sld [smem:$0x3FB2];
	_ =	sdelay $0x3  }
0x34: {  	[smem:$0x3FB2] =	sst s10  }
0x35: {  	s10 =	sld [smem:$0x3FB1];
	_ =	sdelay $0x3  }
0x36: {  	p1 =	seq.s32 s10, $0x1;
	s10 =	sld [smem:$0x3FB2];
	_ =	sdelay $0x3  }
0x37: {  	[smem:$0x3FB2] =	sst s10  }
0x38: {  	s10 =	sld [smem:$0x3FB3]  }
0x39: {  	_ = 	snop;
	(pc) =	sbr.ind lr, $3  }
0x3a: {  	_ = 	snop  }
0x3b: {  	_ = 	snop  }
0x3c: {  	p2 =	seq.s32 s10, $0x1;
	s10 =	sld [smem:$0x3FB2]  }
0x3d: {  	_ =	shalt  }
0x3e: {  	_ =	shalt  }
0x3f: {  	_ =	shalt  }
0x40: {  	_ =	shalt  }
0x41: {  	_ =	shalt  }
0x42: {  	_ =	shalt  }
0x43: {  	_ =	shalt  }
0x44: {  	_ =	shalt  }
0x45: {  	_ =	shalt  }
0x46: {  	_ =	shalt  }
0x47: {  	_ =	shalt  }
0x48: {  	_ =	shalt  }
0x49: {  	_ =	shalt  }
0x4a: {  	_ =	shalt  }
0x4b: {  	_ =	shalt  }
0x4c: {  	_ =	shalt  }
0x4d: {  	_ =	shalt  }
0x4e: {  	_ =	shalt  }
0x4f: {  	_ =	shalt  }
0x50: {  	_ =	shalt  }
0x51: {  	_ =	shalt  }
0x52: {  	_ =	shalt  }
0x53: {  	_ =	shalt  }
0x54: {  	_ =	shalt  }
0x55: {  	_ =	shalt  }
0x56: {  	_ =	shalt  }
0x57: {  	_ =	shalt  }
0x58: {  	_ =	shalt  }
0x59: {  	_ =	shalt  }
0x5a: {  	_ =	shalt  }
0x5b: {  	_ =	shalt  }
0x5c: {  	_ =	shalt  }
0x5d: {  	_ =	shalt  }
0x5e: {  	_ =	shalt  }
0x5f: {  	_ =	shalt  }
0x60: {  	_ =	shalt  }
0x61: {  	_ =	shalt  }
0x62: {  	_ =	shalt  }
0x63: {  	_ =	shalt  }
0x64: {  	_ =	shalt  }
0x65: {  	_ =	shalt  }
0x66: {  	_ =	shalt  }
0x67: {  	_ =	shalt  }
0x68: {  	_ =	shalt  }
0x69: {  	_ =	shalt  }
0x6a: {  	_ =	shalt  }
0x6b: {  	_ =	shalt  }
0x6c: {  	_ =	shalt  }
0x6d: {  	_ =	shalt  }
0x6e: {  	_ =	shalt  }
0x6f: {  	_ =	shalt  }
0x70: {  	_ =	shalt  }
0x71: {  	_ =	shalt  }
0x72: {  	_ =	shalt  }
0x73: {  	_ =	shalt  }
0x74: {  	_ =	shalt  }
0x75: {  	_ =	shalt  }
0x76: {  	_ =	shalt  }
0x77: {  	_ =	shalt  }
0x78: {  	_ =	shalt  }
0x79: {  	_ =	shalt  }
0x7a: {  	_ =	shalt  }
0x7b: {  	_ =	shalt  }
0x7c: {  	_ =	shalt  }
0x7d: {  	_ =	shalt  }
0x7e: {  	_ =	shalt  }
0x7f: {  	_ =	shalt  }
0x80: {  	_ =	shalt  }
0x81: {  	_ =	shalt  }
0x82: {  	_ =	shalt  }
0x83: {  	_ =	shalt  }
0x84: {  	_ =	shalt  }
0x85: {  	_ =	shalt  }
0x86: {  	_ =	shalt  }
0x87: {  	_ =	shalt  }
.Lfunc_end0:
.L_simem_size_0:
called_computation.1_lowered:
.L_overlay_start_0:
0x88: {  	s2 =	sld [smem:$0x3FD9]  }
0x89: {  	s3 =	sld [smem:$0x3FFE];
	_ =	sdelay $0x1  }
0x8a: {  	s1 =	srdreg.scid  }
0x8b: {  	s0 =	sand.u32 $0x1, s1  }
0x8c: {  	s15 =	sshll.u32 s0, $0xA;
	s2 =	sadd.s32 s3, s2  }
0x8d: {  	s2 =	sadd.s32 s2, s15  }
0x8e: {  	[smem:$0x3FBE] =	sst s2  }
0x8f: {  	_ = 	snop  }
0x90: {  	s16 =	sld [smem:$0x3FD0];
	_ =	sdelay $0x2  }
0x91: {  	s4 =	simm.s32 $0xB;
	s5 =	simm.s32 $0x10;
	s2 =	sld [smem:$0x3FC9]  }
0x92: {  	[smem:s5], [sflag:s4] =	dma.local [hbm:s16], $0x1  }
0x93: {  	_ =	swait.eq [sflag:s4], $0x1  }
0x94: {  	[sflag:s4] =	ssyncset.done $0x0  }
0x95: {  	[sflag:s4] =	ssyncadd.s32 $0xFFFFFFFF  }
0x96: {  	s17 =	sld [smem:$0x11];
	(tm) =	ssettm $0x1  }
0x97: {  	s18 =	sld [smem:$0x3FFB];
	_ =	sdelay $0x3  }
0x98: {  	_ =	strace s18  }
0x99: {  	s3 =	sld [smem:$0x3FFC];
	_ =	sdelay $0x3  }
0x9a: {  	_ =	strace s3  }
0x9b: {  	s3 =	sld [smem:$0x3FFD];
	_ =	sdelay $0x3  }
0x9c: {  	_ =	strace s3  }
0x9d: {  	_ =	strace $0x8FFFFFFF  }
0x9e: {  	s19 =	sld [smem:$0x3FDB];
	_ =	sdelay $0x1  }
0x9f: {  	s20 =	simm.s32 $_scs_section_size  }
0xa0: {  	s6 =	simm.s32 $_size__tile_overlayer_lowered;
	s7 =	simm.s32 $_tile_overlayer_lowered  }
0xa1: {  	s8 =	simm.s32 $0x1BFF;
	s21 =	sshll.u32 s7, $0x1;
	s5 =	sadd.s32 s20, s19  }
0xa2: {  	s22 =	simm.s32 $0x0;
	s6 =	sshll.u32 s6, $0x1;
	s7 =	sadd.s32 s21, s5  }
0xa3: {  	[timem:s22], [sflag:s8] =	dma.local [hbm:s7], s6  }
0xa4: {  	_ =	swait.ge [sflag:s8], s6  }
0xa5: {  	s6 =	ssub.s32 $0x0, s6;
	[sflag:s8] =	ssyncset.done $0x0  }
0xa6: {  	[sflag:s8] =	ssyncadd.s32 s6;
	_ =	sdelay $0x1  }
0xa7: {  	s23 =	simm.s32 $0x1B8B  }
0xa8: {  	_ =	swait.ge [sflag:s23], $0x1  }
0xa9: {  	[sflag:s23] =	ssyncset.done $0x0  }
0xaa: {  	[sflag:s23] =	ssyncadd.s32 $0xFFFFFFFF  }
0xab: {  	s6 =	sld [smem:$0x0]  }
0xac: {  	s7 =	sand.u32 $0xFFFFFFFE, s1  }
0xad: {  	p0 =	sne.s32 s1, s7  }
0xae: {  	s7 =	sshll.u32 @p0 s7, $0xE  }
0xaf: {  	s7 =	sadd.s32 @p0 $0x11B8D, s7;
	s8 =	sshll.u32 @p0 s6, $0x11  }
0xb0: {  	s7 =	sor.u32 @p0 s8, s7  }
0xb1: {  	[sflag:s7] =	ssyncadd.remote.s32 @p0 $0x1;
	_ =	sdelay $0x1  }
0xb2: {  	s7 =	simm.s32 @p0 $0x1B8D  }
0xb3: {  	_ =	swait.eq @p0 [sflag:s7], $0x1  }
0xb4: {  	[sflag:s7] =	ssyncadd.s32 @p0 $0xFFFFFFFF  }
0xb5: {  	s8 =	sshll.u32 @!p0 s1, $0xE  }
0xb6: {  	s8 =	sor.u32 @!p0 $0x4000, s8;
	s7 =	simm.s32 @!p0 $0x1B8D  }
0xb7: {  	s6 =	sshll.u32 @!p0 s6, $0x11;
	s8 =	sadd.s32 @!p0 $0x11B8D, s8;
	_ =	swait.eq @!p0 [sflag:s7], $0x1  }
0xb8: {  	s6 =	sor.u32 @!p0 s6, s8;
	[sflag:s7] =	ssyncadd.s32 @!p0 $0xFFFFFFFF  }
0xb9: {  	s25 =	simm.s32 $0x1B8E;
	s24 =	sld [smem:$0x3FFE];
	[sflag:s6] =	ssyncadd.remote.s32 @!p0 $0x1  }
0xba: {  	s26 =	simm.s32 $execute0_lowered;
	[smem:$0x3FD2] =	sst s25  }
0xbb: {  	s7 =	sshll.u32 s26, $0x1;
	_ =	strace $0x80000049;
	[dreg:$0x1] =	wrdreg $0xFFFFFFFF  }
0xbc: {  	s28 =	simm.s32 $_size_execute0_lowered;
	s5 =	sadd.s32 s5, s7;
	[dreg:$0x0] =	wrdreg $0x0  }
0xbd: {  	s7 =	sshll.u32 s28, $0x1;
	[dreg:$0x2] =	wrdreg s5  }
0xbe: {  	[dreg:$0x3] =	wrdreg s7  }
0xbf: {  	[dreg:$0x4] =	wrdreg $0xC0  }
0xc0: {  	_ =	task [dreg:s22], $0x5FFFF  }
0xc1: {  	[dreg:$0x1] =	wrdreg $0xFFFFFFFF  }
0xc2: {  	[dreg:$0x0] =	wrdreg $0x60  }
0xc3: {  	[dreg:$0x2] =	wrdreg s2  }
0xc4: {  	[dreg:$0x3] =	wrdreg s17  }
0xc5: {  	[dreg:$0x4] =	wrdreg s24  }
0xc6: {  	[dreg:$0x5] =	wrdreg $0xA  }
0xc7: {  	_ =	task.clear_ibuf [dreg:s22], $0x6FFFF;
	_ =	strace $0x90000049  }
0xc8: {  	s29 =	simm.s32 $0xA;
	_ =	strace $0x8000004B  }
0xc9: {  	_ =	swait.ge [sflag:s29], $0x1  }
0xca: {  	[sflag:s29] =	ssyncadd.s32 $0xFFFFFFFF  }
0xcb: {  	_ =	strace $0x9000004B  }
0xcc: {  	_ =	sfence  }
0xcd: {  	s30 =	sld [smem:$0x0];
	_ =	sdelay $0x2  }
0xce: {  	s31 =	sshll.u32 s1, $0xD;
	s1 =	sshrl.u32 s1, $0x2  }
0xcf: {  	s4 =	sand.u32 $0x4000, s31;
	s1 =	sadd.s32 s1, s30  }
0xd0: {  	s0 =	sor.u32 s4, s0;
	s1 =	sshll.u32 s1, $0x11  }
0xd1: {  	s0 =	sor.u32 s1, s0  }
0xd2: {  	s0 =	sadd.s32 $0x8F2B, s0  }
0xd3: {  	[sflag:s0] =	ssyncadd.remote.s32 $0x1  }
0xd4: {  	_ =	sfence.sel $0xFFFF  }
0xd5: {  	[dreg:$0x0] =	wrdreg $0xFFFFFFFF;
	(pc) =	sbr.abs _section_cstart, $3  }
0xd6: {  	[dreg:$0x1] =	wrdreg $0xFFFFFFFF  }
0xd7: {  	_ =	task.clear_ibuf [dreg:s22], $0x2FFFF;
	_ =	strace $0x9FFFFFFF  }
0xd8: {  	(tm) =	ssettm $0x7FFFFFFF  }
0xd9: {  	_ =	shalt  }
tec
execute0_lowered:
.L_overlay_start_1:
0x0: {  	(tag) =	ssettag $0x1  }
0x1: {  	s1 =	rddreg [dreg:$0x0]  }
0x2: {  	s2 =	srdreg.scid;
	s0 =	stileid.u32  }
0x3: {  	s4 =	rddreg [dreg:$0x1];
	s22 =	sand.u32 $0x1, s2;
	s5 =	smul.u32 $0xC00, s0  }
0x4: {  	s14 =	rddreg [dreg:$0x2];
	s3 =	simm.s32 $0x0;
	s6 =	sshll.u32 s22, $0x9  }
0x5: {  	s7 =	simm.s32 $0x5;
	[smem:$0x7FF] =	sst s3;
	s5 =	sor.u32 s6, s5  }
0x6: {  	s2 =	rddreg [dreg:$0x3];
	_ =	strace $0x8000004A;
	s5 =	sshrl.u32 s5, $0x3  }
0x7: {  	s6 =	simm.s32 $0x400;
	s4 =	sadd.s32 s4, s5;
	s5 =	simm.s32 $0x80  }
0x8: {  	[tilespmem:s3], [sflag:$0x5] =	stream.strided.gather [hbm4b:s4+s5], $0x180, s6, s5, $0x38;
	[tilespmem:$0x14300] =	vst v63  }
0x9: {  	_ =	swait.ge [sflag:s7], $0x180  }
0xa: {  	[sflag:s7] =	ssyncset.done $0x0  }
0xb: {  	s8 =	simm.s32 $0x140;
	s9 =	simm.s32 $0x300;
	[sflag:s7] =	ssyncadd.s32 $0xFFFFFE80  }
0xc: {  	[tilespmem:s9], [sflag:$0x1] =	stream.indirect.gather [hbm4b:s1+s8], $0x80, s3, s8, $0xb8;
	[tilespmem:$0x14300] =	vst v63  }
0xd: {  	s11 =	simm.s32 $0x180;
	s10 =	sadd.s32 $0x10, s4  }
0xe: {  	[tilespmem:s11], [sflag:$0x5] =	stream.strided.gather [hbm4b:s10+s5], $0x180, s6, s5, $0x38;
	[tilespmem:$0x14300] =	vst v63  }
0xf: {  	_ =	swait.ge [sflag:s7], $0x180  }
0x10: {  	s13 =	simm.s32 $0x1;
	s12 =	sshll.u32 s0, $0x1;
	[sflag:s7] =	ssyncset.done $0x0  }
0x11: {  	s17 =	sor.u32 s22, s12;
	s12 =	simm.s32 $0xA300;
	[sflag:s7] =	ssyncadd.s32 $0xFFFFFE80  }
0x12: {  	[tilespmem:s12], [sflag:$0x2] =	stream.indirect.gather [hbm4b:s1+s8], $0x80, s11, s8, $0xb8;
	[tilespmem:$0x14300] =	vst v63  }
0x13: {  	s15 =	smul.u32 $0x5000, s17;
	_ =	swait.ge [sflag:s13], $0xA000  }
0x14: {  	s18 =	sadd.s32 $0x2A200, s14;
	[sflag:s13] =	ssyncset.done $0x0  }
0x15: {  	s14 =	sadd.s32 s18, s15;
	[sflag:s13] =	ssyncadd.s32 $0xFFFF6000  }
0x16: {  	[hbm4b:s14+s3] =	stream.linear.scatter [tilespmem:s9], [sflag:$0x3], $0xA000, $0x38;
	[tilespmem:$0x14300] =	vst v63  }
0x17: {  	s15 =	sadd.s32 $0x20, s4  }
0x18: {  	[tilespmem:s3], [sflag:$0x5] =	stream.strided.gather [hbm4b:s15+s5], $0x180, s6, s5, $0x38;
	[tilespmem:$0x14300] =	vst v63  }
0x19: {  	_ =	swait.ge [sflag:s7], $0x180  }
0x1a: {  	[sflag:s7] =	ssyncset.done $0x0  }
0x1b: {  	s16 =	simm.s32 $0x3;
	[sflag:s7] =	ssyncadd.s32 $0xFFFFFE80  }
0x1c: {  	_ =	swait.ge [sflag:s16], $0xA000  }
0x1d: {  	[sflag:s16] =	ssyncset.done $0x0  }
0x1e: {  	s19 =	smul.u32 $0x28000, s17;
	s17 =	simm.s32 $0x2;
	[sflag:s16] =	ssyncadd.s32 $0xFFFF6000  }
0x1f: {  	[tilespmem:s9], [sflag:$0x1] =	stream.indirect.gather [hbm4b:s1+s8], $0x80, s3, s8, $0xb8;
	[tilespmem:$0x14300] =	vst v63  }
0x20: {  	s19 =	sshrl.u32 s19, $0x3;
	_ =	swait.ge [sflag:s17], $0xA000  }
0x21: {  	s23 =	sadd.s32 s18, s19;
	[sflag:s17] =	ssyncset.done $0x0  }
0x22: {  	s18 =	sadd.s32 $0x1400, s23;
	[sflag:s17] =	ssyncadd.s32 $0xFFFF6000  }
0x23: {  	[hbm4b:s18+s3] =	stream.linear.scatter [tilespmem:s12], [sflag:$0x4], $0xA000, $0x38;
	[tilespmem:$0x14300] =	vst v63  }
0x24: {  	s19 =	sadd.s32 $0x30, s4  }
0x25: {  	[tilespmem:s11], [sflag:$0x5] =	stream.strided.gather [hbm4b:s19+s5], $0x180, s6, s5, $0x38;
	[tilespmem:$0x14300] =	vst v63  }
0x26: {  	_ =	swait.ge [sflag:s7], $0x180  }
0x27: {  	[sflag:s7] =	ssyncset.done $0x0  }
0x28: {  	s20 =	simm.s32 $0x4;
	[sflag:s7] =	ssyncadd.s32 $0xFFFFFE80  }
0x29: {  	_ =	swait.ge [sflag:s20], $0xA000  }
0x2a: {  	[sflag:s20] =	ssyncset.done $0x0  }
0x2b: {  	[sflag:s20] =	ssyncadd.s32 $0xFFFF6000  }
0x2c: {  	[tilespmem:s12], [sflag:$0x2] =	stream.indirect.gather [hbm4b:s1+s8], $0x80, s11, s8, $0xb8;
	[tilespmem:$0x14300] =	vst v63  }
0x2d: {  	_ =	swait.ge [sflag:s13], $0xA000  }
0x2e: {  	s24 =	ssub.s32 $0x2, s22;
	[sflag:s13] =	ssyncset.done $0x0  }
0x2f: {  	s31 =	sshrl.u32 s24, $0x1;
	s21 =	sadd.s32 $0x2800, s23;
	[sflag:s13] =	ssyncadd.s32 $0xFFFF6000  }
0x30: {  	[hbm4b:s21+s3] =	stream.linear.scatter [tilespmem:s9], [sflag:$0x3], $0xA000, $0x38;
	[tilespmem:$0x14300] =	vst v63  }
0x31: {  	s22 =	sadd.s32 $0x3C00, s23;
	s23 =	ssub.s32 s24, s31;
	_ =	swait.ge [sflag:s17], $0xA000  }
0x32: {  	s23 =	smax.u32 s23, $0x1;
	[sflag:s17] =	ssyncset.done $0x0  }
0x33: {  	p0 =	sne.s32 s23, $0x1;
	[sflag:s17] =	ssyncadd.s32 $0xFFFF6000  }
0x34: {  	[hbm4b:s22+s3] =	stream.linear.scatter [tilespmem:s12], [sflag:$0x4], $0xA000, $0x38;
	[tilespmem:$0x14300] =	vst v63  }
.Ltmp0:
0x35: {  	_ =	swait.ge [sflag:s20], $0xA000;
	(pc) =	sbr.rel @!p0 .LBB2_2-.Ltmp0, $4  }
0x36: {  	[sflag:s20] =	ssyncset.done $0x0  }
0x37: {  	[sflag:s20] =	ssyncadd.s32 $0xFFFF6000  }
0x38: {  	_ =	swait.ge [sflag:s16], $0xA000  }
0x39: {  	s23 =	sadd.s32 $0xFFFFFFFF, s23;
	[sflag:s16] =	ssyncset.done $0x0  }
.LBB2_1:
0x3a: {  	p0 =	sne.s32 s23, $0x1;
	s23 =	sadd.s32 $0xFFFFFFFF, s23;
	[sflag:s16] =	ssyncadd.s32 $0xFFFF6000  }
0x3b: {  	[tilespmem:s3], [sflag:$0x5] =	stream.strided.gather [hbm4b:s4+s5], $0x180, s6, s5, $0x38;
	[tilespmem:$0x14300] =	vst v63  }
0x3c: {  	_ =	swait.ge [sflag:s7], $0x180  }
0x3d: {  	[sflag:s7] =	ssyncset.done $0x0  }
0x3e: {  	[sflag:s7] =	ssyncadd.s32 $0xFFFFFE80  }
0x3f: {  	[tilespmem:s9], [sflag:$0x1] =	stream.indirect.gather [hbm4b:s1+s8], $0x80, s3, s8, $0xb8;
	[tilespmem:$0x14300] =	vst v63  }
0x40: {  	_ = 	snop  }
0x41: {  	[tilespmem:s11], [sflag:$0x5] =	stream.strided.gather [hbm4b:s10+s5], $0x180, s6, s5, $0x38;
	[tilespmem:$0x14300] =	vst v63  }
0x42: {  	_ =	swait.ge [sflag:s7], $0x180  }
0x43: {  	[sflag:s7] =	ssyncset.done $0x0  }
0x44: {  	[sflag:s7] =	ssyncadd.s32 $0xFFFFFE80  }
0x45: {  	[tilespmem:s12], [sflag:$0x2] =	stream.indirect.gather [hbm4b:s1+s8], $0x80, s11, s8, $0xb8;
	[tilespmem:$0x14300] =	vst v63  }
0x46: {  	_ =	swait.ge [sflag:s13], $0xA000  }
0x47: {  	[sflag:s13] =	ssyncset.done $0x0  }
0x48: {  	[sflag:s13] =	ssyncadd.s32 $0xFFFF6000  }
0x49: {  	[hbm4b:s14+s3] =	stream.linear.scatter [tilespmem:s9], [sflag:$0x3], $0xA000, $0x38;
	[tilespmem:$0x14300] =	vst v63  }
0x4a: {  	_ = 	snop  }
0x4b: {  	[tilespmem:s3], [sflag:$0x5] =	stream.strided.gather [hbm4b:s15+s5], $0x180, s6, s5, $0x38;
	[tilespmem:$0x14300] =	vst v63  }
0x4c: {  	_ =	swait.ge [sflag:s7], $0x180  }
0x4d: {  	[sflag:s7] =	ssyncset.done $0x0  }
0x4e: {  	[sflag:s7] =	ssyncadd.s32 $0xFFFFFE80  }
0x4f: {  	_ =	swait.ge [sflag:s16], $0xA000  }
0x50: {  	[sflag:s16] =	ssyncset.done $0x0  }
0x51: {  	[sflag:s16] =	ssyncadd.s32 $0xFFFF6000  }
0x52: {  	[tilespmem:s9], [sflag:$0x1] =	stream.indirect.gather [hbm4b:s1+s8], $0x80, s3, s8, $0xb8;
	[tilespmem:$0x14300] =	vst v63  }
0x53: {  	_ =	swait.ge [sflag:s17], $0xA000  }
0x54: {  	[sflag:s17] =	ssyncset.done $0x0  }
0x55: {  	[sflag:s17] =	ssyncadd.s32 $0xFFFF6000  }
0x56: {  	[hbm4b:s18+s3] =	stream.linear.scatter [tilespmem:s12], [sflag:$0x4], $0xA000, $0x38;
	[tilespmem:$0x14300] =	vst v63  }
0x57: {  	_ = 	snop  }
0x58: {  	[tilespmem:s11], [sflag:$0x5] =	stream.strided.gather [hbm4b:s19+s5], $0x180, s6, s5, $0x38;
	[tilespmem:$0x14300] =	vst v63  }
0x59: {  	_ =	swait.ge [sflag:s7], $0x180  }
0x5a: {  	[sflag:s7] =	ssyncset.done $0x0  }
0x5b: {  	[sflag:s7] =	ssyncadd.s32 $0xFFFFFE80  }
0x5c: {  	_ =	swait.ge [sflag:s20], $0xA000  }
0x5d: {  	[sflag:s20] =	ssyncset.done $0x0  }
0x5e: {  	[sflag:s20] =	ssyncadd.s32 $0xFFFF6000  }
0x5f: {  	[tilespmem:s12], [sflag:$0x2] =	stream.indirect.gather [hbm4b:s1+s8], $0x80, s11, s8, $0xb8;
	[tilespmem:$0x14300] =	vst v63  }
0x60: {  	_ =	swait.ge [sflag:s13], $0xA000  }
0x61: {  	[sflag:s13] =	ssyncset.done $0x0  }
0x62: {  	[sflag:s13] =	ssyncadd.s32 $0xFFFF6000  }
0x63: {  	[hbm4b:s21+s3] =	stream.linear.scatter [tilespmem:s9], [sflag:$0x3], $0xA000, $0x38;
	[tilespmem:$0x14300] =	vst v63  }
0x64: {  	_ =	swait.ge [sflag:s17], $0xA000  }
0x65: {  	[sflag:s17] =	ssyncset.done $0x0  }
0x66: {  	[sflag:s17] =	ssyncadd.s32 $0xFFFF6000  }
0x67: {  	[hbm4b:s22+s3] =	stream.linear.scatter [tilespmem:s12], [sflag:$0x4], $0xA000, $0x38;
	[tilespmem:$0x14300] =	vst v63  }
.Ltmp1:
0x68: {  	_ =	swait.ge [sflag:s20], $0xA000;
	(pc) =	sbr.rel @p0 .LBB2_1-.Ltmp1, $4  }
0x69: {  	[sflag:s20] =	ssyncset.done $0x0  }
0x6a: {  	[sflag:s20] =	ssyncadd.s32 $0xFFFF6000  }
0x6b: {  	_ =	swait.ge [sflag:s16], $0xA000  }
0x6c: {  	[sflag:s16] =	ssyncset.done $0x0  }
.LBB2_2:
0x6d: {  	[sflag:s16] =	ssyncadd.s32 $0xFFFF6000  }
0x6e: {  	_ =	sfence.sel $0x180000  }
0x6f: {  	[bflag:$0x0] =	sbarrier.arrive $0xFFFF  }
0x70: {  	p0 =	sne.s32 s0, $0x0;
	_ =	strace $0x9000004A  }
0x71: {  	s0 =	sadd.s32 @!p0 $0x100000, s2;
	[bflag:$0x2] =	sbarrier.arrive $0xFFFF  }
0x72: {  	[sflag:s0] =	ssyncadd.tile.s32 @!p0 $0x1;
	_ =	shalt  }
.Lfunc_end2:
_tile_overlayer_lowered:
.L_overlay_start_2:
0x73: {  	(tag) =	ssettag $0x2  }
0x74: {  	s0 =	rddreg [dreg:$0x0];
	s2 =	stileid.u32  }
0x75: {  	s1 =	rddreg [dreg:$0x1];
	p0 =	sne.s32 s2, $0x0  }
0x76: {  	s3 =	rddreg [dreg:$0x2];
	[bflag:$0x3] =	sbarrier.arrive $0xFFFF;
	s2 =	simm.s32 @!p0 $0x1C05  }
0x77: {  	[timem:s3], [sflag:s2] =	dma.local @!p0 [hbm:s0], s1  }
0x78: {  	s0 =	simm.s32 @!p0 $0x5  }
0x79: {  	_ =	swait.ge @!p0 [sflag:s0], s1  }
0x7a: {  	s1 =	ssub.s32 @!p0 $0x0, s1;
	[sflag:s0] =	ssyncset.done @!p0 $0x0  }
0x7b: {  	[sflag:s0] =	ssyncadd.s32 @!p0 s1  }
0x7c: {  	[bflag:$0x3] =	sbarrier.arrive $0xFFFF  }
0x7d: {  	_ =	shalt  }

</sc_bundles>
